<compile_context>
chip_gen: v7x
topology: tpu7x:2x2x1
jax: 0.10.2.dev20260603
libtpu: 0.0.44.dev20260713+nightly
codegen_flags: <defaults>
</compile_context>

<pallas_src>
import jax
import jax.numpy as jnp
from jax import lax
from jax.experimental import pallas as pl
from jax.experimental.pallas import tpu as pltpu
from jax.experimental.pallas import tpu_sc as plsc

N_NODES = 10000
N_EDGES = 320000
EMB = 64

BN = 2000
BE = 6400

NUM_CORES = 2
NUM_TILES = 16
NW = NUM_CORES * NUM_TILES
E_PER_W = N_EDGES // NW
KGG = 200
NCHG = E_PER_W // KGG
KS = 200
NCHS = E_PER_W // KS
N_PAD = 10240
ROWS_PER_TILE = N_PAD // NUM_TILES


def _gather_body(table_hbm, idx_hbm, out_hbm, idx_v, rows_v, gsem, w0sem, w1sem):
    c = lax.axis_index("c")
    s = lax.axis_index("s")
    wid = c * NUM_TILES + s
    base = wid * E_PER_W
    pltpu.sync_copy(idx_hbm.at[pl.ds(base, E_PER_W)], idx_v)

    wsems = (w0sem, w1sem)

    def outer(g, carry):
        for b in range(2):
            j = g * 2 + b

            @pl.when(g > 0)
            def _():
                pltpu.make_async_copy(
                    rows_v.at[b], out_hbm.at[pl.ds(base, KGG)], wsems[b]
                ).wait()

            pltpu.async_copy(table_hbm.at[idx_v.at[pl.ds(j * KGG, KGG)]], rows_v.at[b], gsem).wait()
            pltpu.async_copy(
                rows_v.at[b], out_hbm.at[pl.ds(base + j * KGG, KGG)], wsems[b]
            )
        return carry

    lax.fori_loop(0, NCHG // 2, outer, 0)
    for b in range(2):
        pltpu.make_async_copy(
            rows_v.at[b], out_hbm.at[pl.ds(base, KGG)], wsems[b]
        ).wait()


_gather = pl.kernel(
    _gather_body,
    out_type=jax.ShapeDtypeStruct((N_EDGES, 2 * EMB), jnp.float32),
    mesh=plsc.VectorSubcoreMesh(core_axis_name="c", subcore_axis_name="s"),
    scratch_types=[
        pltpu.VMEM((E_PER_W,), jnp.int32),
        pltpu.VMEM((2, KGG, 2 * EMB), jnp.float32),
        pltpu.SemaphoreType.DMA,
        pltpu.SemaphoreType.DMA,
        pltpu.SemaphoreType.DMA,
    ],
)


def _scatter_body(h_hbm, idx_hbm, out_hbm, idx_v, rows_v, acc_sh, hsem0, hsem1):
    c = lax.axis_index("c")
    s = lax.axis_index("s")
    wid = c * NUM_TILES + s
    base = wid * E_PER_W

    zvec = jnp.zeros((16,), jnp.float32)

    def zrow(i, carry):
        for j in range(EMB // 16):
            rows_v[0, i, pl.ds(j * 16, 16)] = zvec
        return carry

    lax.fori_loop(0, KS, zrow, 0)
    for t in range(ROWS_PER_TILE // KS):
        pltpu.sync_copy(rows_v.at[0], acc_sh.at[pl.ds(s * ROWS_PER_TILE + t * KS, KS)])
    rem = ROWS_PER_TILE - (ROWS_PER_TILE // KS) * KS
    if rem:
        pltpu.sync_copy(
            rows_v.at[0, pl.ds(0, rem)],
            acc_sh.at[pl.ds(s * ROWS_PER_TILE + (ROWS_PER_TILE // KS) * KS, rem)],
        )
    pltpu.sync_copy(idx_hbm.at[pl.ds(wid * NCHS, NCHS)], idx_v)
    plsc.subcore_barrier()

    hsems = (hsem0, hsem1)
    pltpu.async_copy(
        h_hbm.at[pl.ds(base, KS), pl.ds(0, EMB)], rows_v.at[0], hsems[0]
    )

    def outer(g, carry):
        for b in range(2):
            j = g * 2 + b
            nb = 1 - b
            pltpu.make_async_copy(
                h_hbm.at[pl.ds(base, KS), pl.ds(0, EMB)], rows_v.at[b], hsems[b]
            ).wait()

            @pl.when(j + 1 < NCHS)
            def _():
                pltpu.async_copy(
                    h_hbm.at[pl.ds(base + (j + 1) * KS, KS), pl.ds(0, EMB)],
                    rows_v.at[nb],
                    hsems[nb],
                )

            pltpu.sync_copy(rows_v.at[b], acc_sh.at[idx_v.at[j]], add=True)
        return carry

    lax.fori_loop(0, NCHS // 2, outer, 0)
    plsc.subcore_barrier()
    pltpu.sync_copy(
        acc_sh.at[pl.ds(s * ROWS_PER_TILE, ROWS_PER_TILE)],
        out_hbm.at[c, pl.ds(s * ROWS_PER_TILE, ROWS_PER_TILE)],
    )


_scatter = pl.kernel(
    _scatter_body,
    out_type=jax.ShapeDtypeStruct((NUM_CORES, N_PAD, EMB), jnp.float32),
    mesh=plsc.VectorSubcoreMesh(core_axis_name="c", subcore_axis_name="s"),
    scratch_types=[
        pltpu.VMEM((NCHS, KS), jnp.int32),
        pltpu.VMEM((2, KS, EMB), jnp.float32),
        pltpu.VMEM_SHARED((N_PAD, EMB), jnp.float32),
        pltpu.SemaphoreType.DMA,
        pltpu.SemaphoreType.DMA,
    ],
    compiler_params=pltpu.CompilerParams(use_tc_tiling_on_sc=False),
)


def _edge_mlp_body(xs_ref, eat_ref, w1at_ref, w1ab_ref, b1a_ref, w1bx_ref, b1bx_ref, h_ref):
    xs = xs_ref[...]
    eaw = lax.dot_general(
        eat_ref[...], w1ab_ref[...],
        (((0,), (0,)), ((), ())),
        preferred_element_type=jnp.float32,
    )
    h1 = jnp.maximum(
        jnp.dot(xs, w1at_ref[...], preferred_element_type=jnp.float32)
        + eaw
        + b1a_ref[...],
        0.0,
    )
    h_ref[...] = jnp.maximum(
        jnp.dot(h1, w1bx_ref[...], preferred_element_type=jnp.float32) + b1bx_ref[...],
        0.0,
    )


def _node_mlp_body(x_ref, agg_ref, w2at_ref, w2ab_ref, b2a_ref, w2b_ref, b2b_ref, out_ref):
    agg = agg_ref[0] + agg_ref[1]
    h = jnp.maximum(
        jnp.dot(x_ref[...], w2at_ref[...], preferred_element_type=jnp.float32)
        + jnp.dot(agg, w2ab_ref[...], preferred_element_type=jnp.float32)
        + b2a_ref[...],
        0.0,
    )
    out_ref[...] = jnp.maximum(
        jnp.dot(h, w2b_ref[...], preferred_element_type=jnp.float32) + b2b_ref[...],
        0.0,
    )


def _full_spec(shape):
    return pl.BlockSpec(shape, lambda i: (0,) * len(shape))


def kernel(x, edge_index, edge_attr, u, batch, W1a, b1a, W1b, b1b, W2a, b2a, W2b, b2b):
    senders = edge_index[0]
    receivers2 = edge_index[1].reshape(N_EDGES // KS, KS)
    w1a_top, w1a_bot = W1a[:2 * EMB], W1a[2 * EMB:]
    w2a_top, w2a_bot = W2a[:2 * EMB], W2a[2 * EMB:]
    w1b_x = jnp.concatenate([W1b, jnp.zeros((EMB, EMB), jnp.float32)], axis=1)
    b1b_x = jnp.concatenate([b1b, jnp.zeros((EMB,), jnp.float32)]).reshape(1, 2 * EMB)
    b1a2 = b1a.reshape(1, EMB)
    b2a2 = b2a.reshape(1, EMB)
    b2b2 = b2b.reshape(1, EMB)

    xs = _gather(x, senders)

    ea_t = edge_attr.T

    h = pl.pallas_call(
        _edge_mlp_body,
        grid=(N_EDGES // BE,),
        in_specs=[
            pl.BlockSpec((BE, 2 * EMB), lambda i: (i, 0)),
            pl.BlockSpec((EMB, BE), lambda i: (0, i)),
            _full_spec((2 * EMB, EMB)),
            _full_spec((EMB, EMB)),
            _full_spec((1, EMB)),
            _full_spec((EMB, 2 * EMB)),
            _full_spec((1, 2 * EMB)),
        ],
        out_specs=pl.BlockSpec((BE, 2 * EMB), lambda i: (i, 0)),
        out_shape=jax.ShapeDtypeStruct((N_EDGES, 2 * EMB), jnp.float32),
    )(xs, ea_t, w1a_top, w1a_bot, b1a2, w1b_x, b1b_x)

    agg2 = _scatter(h, receivers2)

    out = pl.pallas_call(
        _node_mlp_body,
        grid=(N_NODES // BN,),
        in_specs=[
            pl.BlockSpec((BN, 2 * EMB), lambda i: (i, 0)),
            pl.BlockSpec((NUM_CORES, BN, EMB), lambda i: (0, i, 0)),
            _full_spec((2 * EMB, EMB)),
            _full_spec((EMB, EMB)),
            _full_spec((1, EMB)),
            _full_spec((EMB, EMB)),
            _full_spec((1, EMB)),
        ],
        out_specs=pl.BlockSpec((BN, EMB), lambda i: (i, 0)),
        out_shape=jax.ShapeDtypeStruct((N_NODES, EMB), jnp.float32),
    )(x, agg2, w2a_top, w2a_bot, b2a2, W2b, b2b2)
    return out

# --- scband reference (transcript-rebuilt; emitter-appended) ---
"""Pipeline reference for scband-node-model-48928267436353 (READ-ONLY COPY).

The authoritative reference and input builder live on the scoring server;
editing this copy changes nothing except your own understanding.
"""

import jax, jax.numpy as jnp
import numpy as np

N = 10000
E = 320000
EMB = 64


def _init_linear(key, fan_in, fan_out):
    k1, k2 = jax.random.split(key)
    bound = 1.0 / np.sqrt(fan_in)
    W = jax.random.uniform(k1, (fan_in, fan_out), minval=-bound, maxval=bound, dtype=jnp.float32)
    b = jax.random.uniform(k2, (fan_out,), minval=-bound, maxval=bound, dtype=jnp.float32)
    return W, b


def setup_inputs(seed: int = 0) -> dict:
    key = jax.random.key(seed)
    ks = jax.random.split(key, 9)
    inp = {}
    inp["x"] = jax.random.normal(ks[0], (N, 2 * EMB), dtype=jnp.float32)
    inp["edge_index"] = jax.random.randint(ks[1], (2, E), 0, N, dtype=jnp.int32)
    inp["edge_attr"] = jax.random.normal(ks[2], (E, EMB), dtype=jnp.float32)
    inp["u"] = jax.random.normal(ks[3], (1, EMB), dtype=jnp.float32)
    inp["batch"] = jnp.zeros((N,), dtype=jnp.int32)
    inp["W1a"], inp["b1a"] = _init_linear(ks[4], 3 * EMB, EMB)
    inp["W1b"], inp["b1b"] = _init_linear(ks[5], EMB, EMB)
    inp["W2a"], inp["b2a"] = _init_linear(ks[6], 3 * EMB, EMB)
    inp["W2b"], inp["b2b"] = _init_linear(ks[7], EMB, EMB)
    return inp


def reference(x, edge_index, edge_attr, u, batch, W1a, b1a, W1b, b1b, W2a, b2a, W2b, b2b):
    senders = edge_index[0]
    receivers = edge_index[1]
    # node_mlp_1 on [x[senders], edge_attr]
    h = jnp.concatenate([jnp.take(x, senders, axis=0), edge_attr], axis=1)
    h = jax.nn.relu(h @ W1a + b1a)
    h = jax.nn.relu(h @ W1b + b1b)
    # scatter_add over receivers (dim_size = num nodes)
    agg = jax.ops.segment_sum(h, receivers, num_segments=x.shape[0])
    # node_mlp_2 on [x, agg]
    h2 = jnp.concatenate([x, agg], axis=1)
    h2 = jax.nn.relu(h2 @ W2a + b2a)
    h2 = jax.nn.relu(h2 @ W2b + b2b)
    return h2

if __name__ == "__main__":
    import jax
    _d = setup_inputs()
    print(jax.jit(kernel)(*tuple(_d.values())))

</pallas_src>

<mosaic_0001>
#map = affine_map<(d0, d1) -> (0, 0)>
#map1 = affine_map<(d0, d1) -> (0)>
module attributes {stable_mosaic.version = 14 : i64} {
  func.func @_gather_body(%arg0: i32, %arg1: i32, %arg2: memref<10000x128xf32, #tpu.memory_space<hbm>>, %arg3: memref<320000xi32, #tpu.memory_space<hbm>>, %arg4: memref<320000x128xf32, #tpu.memory_space<hbm>>, %arg5: memref<10000xi32, #tpu.memory_space<vmem>>, %arg6: memref<2x200x128xf32, #tpu.memory_space<vmem>>, %arg7: memref<!tpu.dma_semaphore, #tpu.memory_space<semaphore_mem>>, %arg8: memref<!tpu.dma_semaphore, #tpu.memory_space<semaphore_mem>>, %arg9: memref<!tpu.dma_semaphore, #tpu.memory_space<semaphore_mem>>) attributes {dimension_semantics = [#tpu.dimension_semantics<core_parallel>, #tpu.dimension_semantics<subcore_parallel>], iteration_bounds = array<i64: 2, 16>, scalar_prefetch = 0 : i64, scratch_operands = 5 : i64, tpu.core_type = #tpu.core_type<sc_vector_subcore>, window_params = [{transform_indices = #map}, {transform_indices = #map1}, {transform_indices = #map}]} {
    %mul3A = arith.constant 16 : i32
    %mul3A_0 = arith.muli %arg0, %mul3A : i32
    %add3A = arith.addi %mul3A_0, %arg1 : i32
    %mul3A_1 = arith.constant 10000 : i32
    %mul3A_2 = arith.muli %add3A, %mul3A_1 : i32
    "tpu.region"() ({
      %run_scoped3A = tpu.sem_alloc : memref<!tpu.dma_semaphore, #tpu.memory_space<semaphore_mem>>
      %dma_start3A = tpu.memref_slice %arg3[%mul3A_2] : memref<320000xi32, #tpu.memory_space<hbm>> -> memref<10000xi32, #tpu.memory_space<hbm>>
      %dma_start3A_33 = tpu.memref_slice %arg3[%mul3A_2] : memref<320000xi32, #tpu.memory_space<hbm>> -> memref<10000xi32, #tpu.memory_space<hbm>>
      tpu.enqueue_dma source(%dma_start3A_33 : memref<10000xi32, #tpu.memory_space<hbm>>) target(%arg5 : memref<10000xi32, #tpu.memory_space<vmem>>) target_semaphore(%run_scoped3A : memref<!tpu.dma_semaphore, #tpu.memory_space<semaphore_mem>>)
      %dma_wait3A_34 = tpu.memref_slice %arg3[%mul3A_2] : memref<320000xi32, #tpu.memory_space<hbm>> -> memref<10000xi32, #tpu.memory_space<hbm>>
      %dma_wait3A_35 = tpu.memref_slice %arg3[%mul3A_2] : memref<320000xi32, #tpu.memory_space<hbm>> -> memref<10000xi32, #tpu.memory_space<hbm>>
      tpu.wait_dma2 semaphore(%run_scoped3A : memref<!tpu.dma_semaphore, #tpu.memory_space<semaphore_mem>>) src(%dma_wait3A_35 : memref<10000xi32, #tpu.memory_space<hbm>>) dst(%arg5 : memref<10000xi32, #tpu.memory_space<vmem>>)
      tpu.yield
    }) : () -> ()
    %scan3A = arith.constant 0 : i32
    %scan3A_3 = arith.constant 0 : i32
    %scan3A_4 = arith.constant 25 : i32
    %scan3A_5 = arith.addi %scan3A_3, %scan3A_4 : i32
    %scan3A_6 = arith.constant 1 : i32
    scf.for %scan3A_33 = %scan3A_3 to %scan3A_5 step %scan3A_6  : i32 {
      %mul3A_34 = arith.constant 2 : i32
      %mul3A_35 = arith.muli %scan3A_33, %mul3A_34 : i32
      %add3A_36 = arith.constant 0 : i32
      %add3A_37 = arith.addi %mul3A_35, %add3A_36 : i32
      %gt3A = arith.constant 0 : i32
      %gt3A_38 = arith.cmpi sgt, %scan3A_33, %gt3A : i32
      %convert_element_type3A = arith.extui %gt3A_38 : i1 to i32
      %cond3A = arith.constant 0 : i32
      %cond3A_39 = arith.cmpi ne, %convert_element_type3A, %cond3A : i32
      scf.if %cond3A_39 {
        %dma_wait3A_120 = arith.constant 0 : i32
        %dma_wait3A_121 = arith.constant 0 : i32
        %dma_wait3A_122 = arith.constant 0 : i32
        %dma_wait3A_123 = tpu.memref_slice %arg6[%dma_wait3A_120, %dma_wait3A_121, %dma_wait3A_122] : memref<2x200x128xf32, #tpu.memory_space<vmem>> -> memref<1x200x128xf32, #tpu.memory_space<vmem>>
        %dma_wait3A_124 = tpu.memref_squeeze %dma_wait3A_123 : memref<1x200x128xf32, #tpu.memory_space<vmem>> -> memref<200x128xf32, #tpu.memory_space<vmem>>
        %dma_wait3A_125 = arith.constant 0 : i32
        %dma_wait3A_126 = tpu.memref_slice %arg4[%mul3A_2, %dma_wait3A_125] : memref<320000x128xf32, #tpu.memory_space<hbm>> -> memref<200x128xf32, #tpu.memory_space<hbm>>
        %dma_wait3A_127 = arith.constant 0 : i32
        %dma_wait3A_128 = tpu.memref_slice %arg4[%mul3A_2, %dma_wait3A_127] : memref<320000x128xf32, #tpu.memory_space<hbm>> -> memref<200x128xf32, #tpu.memory_space<hbm>>
        %dma_wait3A_129 = arith.constant 0 : i32
        %dma_wait3A_130 = arith.constant 0 : i32
        %dma_wait3A_131 = tpu.memref_slice %arg6[%dma_wait3A_120, %dma_wait3A_129, %dma_wait3A_130] : memref<2x200x128xf32, #tpu.memory_space<vmem>> -> memref<1x200x128xf32, #tpu.memory_space<vmem>>
        %dma_wait3A_132 = tpu.memref_squeeze %dma_wait3A_131 : memref<1x200x128xf32, #tpu.memory_space<vmem>> -> memref<200x128xf32, #tpu.memory_space<vmem>>
        tpu.wait_dma2 semaphore(%arg8 : memref<!tpu.dma_semaphore, #tpu.memory_space<semaphore_mem>>) src(%dma_wait3A_132 : memref<200x128xf32, #tpu.memory_space<vmem>>) dst(%dma_wait3A_128 : memref<200x128xf32, #tpu.memory_space<hbm>>)
      } else {
      }
      %mul3A_40 = arith.constant 200 : i32
      %mul3A_41 = arith.muli %add3A_37, %mul3A_40 : i32
      %dma_start3A = arith.constant 0 : i32
      %dma_start3A_42 = arith.constant 0 : i32
      %dma_start3A_43 = arith.constant 0 : i32
      %dma_start3A_44 = tpu.memref_slice %arg6[%dma_start3A, %dma_start3A_42, %dma_start3A_43] : memref<2x200x128xf32, #tpu.memory_space<vmem>> -> memref<1x200x128xf32, #tpu.memory_space<vmem>>
      %dma_start3A_45 = tpu.memref_squeeze %dma_start3A_44 : memref<1x200x128xf32, #tpu.memory_space<vmem>> -> memref<200x128xf32, #tpu.memory_space<vmem>>
      %dma_start3A_46 = tpu.memref_slice %arg5[%mul3A_41] : memref<10000xi32, #tpu.memory_space<vmem>> -> memref<200xi32, #tpu.memory_space<vmem>>
      %dma_start3A_47 = arith.constant 0 : i32
      %dma_start3A_48 = arith.constant 0 : i32
      %dma_start3A_49 = tpu.memref_slice %arg2[%dma_start3A_47, %dma_start3A_48] : memref<10000x128xf32, #tpu.memory_space<hbm>> -> memref<10000x128xf32, #tpu.memory_space<hbm>>
      tpu.enqueue_indirect_dma source(%dma_start3A_49 : memref<10000x128xf32, #tpu.memory_space<hbm>>) target(%dma_start3A_45 : memref<200x128xf32, #tpu.memory_space<vmem>>) offsets(%dma_start3A_46 : memref<200xi32, #tpu.memory_space<vmem>>) semaphore(%arg7 : memref<!tpu.dma_semaphore, #tpu.memory_space<semaphore_mem>>)
      %dma_wait3A_50 = arith.constant 0 : i32
      %dma_wait3A_51 = arith.constant 0 : i32
      %dma_wait3A_52 = arith.constant 0 : i32
      %dma_wait3A_53 = tpu.memref_slice %arg6[%dma_wait3A_50, %dma_wait3A_51, %dma_wait3A_52] : memref<2x200x128xf32, #tpu.memory_space<vmem>> -> memref<1x200x128xf32, #tpu.memory_space<vmem>>
      %dma_wait3A_54 = tpu.memref_squeeze %dma_wait3A_53 : memref<1x200x128xf32, #tpu.memory_space<vmem>> -> memref<200x128xf32, #tpu.memory_space<vmem>>
      %dma_wait3A_55 = tpu.memref_slice %arg5[%mul3A_41] : memref<10000xi32, #tpu.memory_space<vmem>> -> memref<200xi32, #tpu.memory_space<vmem>>
      %dma_wait3A_56 = arith.constant 0 : i32
      %dma_wait3A_57 = arith.constant 0 : i32
      %dma_wait3A_58 = tpu.memref_slice %arg2[%dma_wait3A_56, %dma_wait3A_57] : memref<10000x128xf32, #tpu.memory_space<hbm>> -> memref<10000x128xf32, #tpu.memory_space<hbm>>
      tpu.wait_indirect_dma semaphore(%arg7 : memref<!tpu.dma_semaphore, #tpu.memory_space<semaphore_mem>>) src(%dma_wait3A_58 : memref<10000x128xf32, #tpu.memory_space<hbm>>) dst(%dma_wait3A_54 : memref<200x128xf32, #tpu.memory_space<vmem>>)
      %mul3A_59 = arith.constant 200 : i32
      %mul3A_60 = arith.muli %add3A_37, %mul3A_59 : i32
      %add3A_61 = arith.addi %mul3A_2, %mul3A_60 : i32
      %dma_start3A_62 = arith.constant 0 : i32
      %dma_start3A_63 = arith.constant 0 : i32
      %dma_start3A_64 = arith.constant 0 : i32
      %dma_start3A_65 = tpu.memref_slice %arg6[%dma_start3A_62, %dma_start3A_63, %dma_start3A_64] : memref<2x200x128xf32, #tpu.memory_space<vmem>> -> memref<1x200x128xf32, #tpu.memory_space<vmem>>
      %dma_start3A_66 = tpu.memref_squeeze %dma_start3A_65 : memref<1x200x128xf32, #tpu.memory_space<vmem>> -> memref<200x128xf32, #tpu.memory_space<vmem>>
      %dma_start3A_67 = arith.constant 0 : i32
      %dma_start3A_68 = tpu.memref_slice %arg4[%add3A_61, %dma_start3A_67] : memref<320000x128xf32, #tpu.memory_space<hbm>> -> memref<200x128xf32, #tpu.memory_space<hbm>>
      %dma_start3A_69 = arith.constant 0 : i32
      %dma_start3A_70 = tpu.memref_slice %arg4[%add3A_61, %dma_start3A_69] : memref<320000x128xf32, #tpu.memory_space<hbm>> -> memref<200x128xf32, #tpu.memory_space<hbm>>
      %dma_start3A_71 = arith.constant 0 : i32
      %dma_start3A_72 = arith.constant 0 : i32
      %dma_start3A_73 = tpu.memref_slice %arg6[%dma_start3A_62, %dma_start3A_71, %dma_start3A_72] : memref<2x200x128xf32, #tpu.memory_space<vmem>> -> memref<1x200x128xf32, #tpu.memory_space<vmem>>
      %dma_start3A_74 = tpu.memref_squeeze %dma_start3A_73 : memref<1x200x128xf32, #tpu.memory_space<vmem>> -> memref<200x128xf32, #tpu.memory_space<vmem>>
      tpu.enqueue_dma source(%dma_start3A_74 : memref<200x128xf32, #tpu.memory_space<vmem>>) target(%dma_start3A_70 : memref<200x128xf32, #tpu.memory_space<hbm>>) target_semaphore(%arg8 : memref<!tpu.dma_semaphore, #tpu.memory_space<semaphore_mem>>)
      %mul3A_75 = arith.constant 2 : i32
      %mul3A_76 = arith.muli %scan3A_33, %mul3A_75 : i32
      %add3A_77 = arith.constant 1 : i32
      %add3A_78 = arith.addi %mul3A_76, %add3A_77 : i32
      %gt3A_79 = arith.constant 0 : i32
      %gt3A_80 = arith.cmpi sgt, %scan3A_33, %gt3A_79 : i32
      %convert_element_type3A_81 = arith.extui %gt3A_80 : i1 to i32
      %cond3A_82 = arith.constant 0 : i32
      %cond3A_83 = arith.cmpi ne, %convert_element_type3A_81, %cond3A_82 : i32
      scf.if %cond3A_83 {
        %dma_wait3A_120 = arith.constant 1 : i32
        %dma_wait3A_121 = arith.constant 0 : i32
        %dma_wait3A_122 = arith.constant 0 : i32
        %dma_wait3A_123 = tpu.memref_slice %arg6[%dma_wait3A_120, %dma_wait3A_121, %dma_wait3A_122] : memref<2x200x128xf32, #tpu.memory_space<vmem>> -> memref<1x200x128xf32, #tpu.memory_space<vmem>>
        %dma_wait3A_124 = tpu.memref_squeeze %dma_wait3A_123 : memref<1x200x128xf32, #tpu.memory_space<vmem>> -> memref<200x128xf32, #tpu.memory_space<vmem>>
        %dma_wait3A_125 = arith.constant 0 : i32
        %dma_wait3A_126 = tpu.memref_slice %arg4[%mul3A_2, %dma_wait3A_125] : memref<320000x128xf32, #tpu.memory_space<hbm>> -> memref<200x128xf32, #tpu.memory_space<hbm>>
        %dma_wait3A_127 = arith.constant 0 : i32
        %dma_wait3A_128 = tpu.memref_slice %arg4[%mul3A_2, %dma_wait3A_127] : memref<320000x128xf32, #tpu.memory_space<hbm>> -> memref<200x128xf32, #tpu.memory_space<hbm>>
        %dma_wait3A_129 = arith.constant 0 : i32
        %dma_wait3A_130 = arith.constant 0 : i32
        %dma_wait3A_131 = tpu.memref_slice %arg6[%dma_wait3A_120, %dma_wait3A_129, %dma_wait3A_130] : memref<2x200x128xf32, #tpu.memory_space<vmem>> -> memref<1x200x128xf32, #tpu.memory_space<vmem>>
        %dma_wait3A_132 = tpu.memref_squeeze %dma_wait3A_131 : memref<1x200x128xf32, #tpu.memory_space<vmem>> -> memref<200x128xf32, #tpu.memory_space<vmem>>
        tpu.wait_dma2 semaphore(%arg9 : memref<!tpu.dma_semaphore, #tpu.memory_space<semaphore_mem>>) src(%dma_wait3A_132 : memref<200x128xf32, #tpu.memory_space<vmem>>) dst(%dma_wait3A_128 : memref<200x128xf32, #tpu.memory_space<hbm>>)
      } else {
      }
      %mul3A_84 = arith.constant 200 : i32
      %mul3A_85 = arith.muli %add3A_78, %mul3A_84 : i32
      %dma_start3A_86 = arith.constant 1 : i32
      %dma_start3A_87 = arith.constant 0 : i32
      %dma_start3A_88 = arith.constant 0 : i32
      %dma_start3A_89 = tpu.memref_slice %arg6[%dma_start3A_86, %dma_start3A_87, %dma_start3A_88] : memref<2x200x128xf32, #tpu.memory_space<vmem>> -> memref<1x200x128xf32, #tpu.memory_space<vmem>>
      %dma_start3A_90 = tpu.memref_squeeze %dma_start3A_89 : memref<1x200x128xf32, #tpu.memory_space<vmem>> -> memref<200x128xf32, #tpu.memory_space<vmem>>
      %dma_start3A_91 = tpu.memref_slice %arg5[%mul3A_85] : memref<10000xi32, #tpu.memory_space<vmem>> -> memref<200xi32, #tpu.memory_space<vmem>>
      %dma_start3A_92 = arith.constant 0 : i32
      %dma_start3A_93 = arith.constant 0 : i32
      %dma_start3A_94 = tpu.memref_slice %arg2[%dma_start3A_92, %dma_start3A_93] : memref<10000x128xf32, #tpu.memory_space<hbm>> -> memref<10000x128xf32, #tpu.memory_space<hbm>>
      tpu.enqueue_indirect_dma source(%dma_start3A_94 : memref<10000x128xf32, #tpu.memory_space<hbm>>) target(%dma_start3A_90 : memref<200x128xf32, #tpu.memory_space<vmem>>) offsets(%dma_start3A_91 : memref<200xi32, #tpu.memory_space<vmem>>) semaphore(%arg7 : memref<!tpu.dma_semaphore, #tpu.memory_space<semaphore_mem>>)
      %dma_wait3A_95 = arith.constant 1 : i32
      %dma_wait3A_96 = arith.constant 0 : i32
      %dma_wait3A_97 = arith.constant 0 : i32
      %dma_wait3A_98 = tpu.memref_slice %arg6[%dma_wait3A_95, %dma_wait3A_96, %dma_wait3A_97] : memref<2x200x128xf32, #tpu.memory_space<vmem>> -> memref<1x200x128xf32, #tpu.memory_space<vmem>>
      %dma_wait3A_99 = tpu.memref_squeeze %dma_wait3A_98 : memref<1x200x128xf32, #tpu.memory_space<vmem>> -> memref<200x128xf32, #tpu.memory_space<vmem>>
      %dma_wait3A_100 = tpu.memref_slice %arg5[%mul3A_85] : memref<10000xi32, #tpu.memory_space<vmem>> -> memref<200xi32, #tpu.memory_space<vmem>>
      %dma_wait3A_101 = arith.constant 0 : i32
      %dma_wait3A_102 = arith.constant 0 : i32
      %dma_wait3A_103 = tpu.memref_slice %arg2[%dma_wait3A_101, %dma_wait3A_102] : memref<10000x128xf32, #tpu.memory_space<hbm>> -> memref<10000x128xf32, #tpu.memory_space<hbm>>
      tpu.wait_indirect_dma semaphore(%arg7 : memref<!tpu.dma_semaphore, #tpu.memory_space<semaphore_mem>>) src(%dma_wait3A_103 : memref<10000x128xf32, #tpu.memory_space<hbm>>) dst(%dma_wait3A_99 : memref<200x128xf32, #tpu.memory_space<vmem>>)
      %mul3A_104 = arith.constant 200 : i32
      %mul3A_105 = arith.muli %add3A_78, %mul3A_104 : i32
      %add3A_106 = arith.addi %mul3A_2, %mul3A_105 : i32
      %dma_start3A_107 = arith.constant 1 : i32
      %dma_start3A_108 = arith.constant 0 : i32
      %dma_start3A_109 = arith.constant 0 : i32
      %dma_start3A_110 = tpu.memref_slice %arg6[%dma_start3A_107, %dma_start3A_108, %dma_start3A_109] : memref<2x200x128xf32, #tpu.memory_space<vmem>> -> memref<1x200x128xf32, #tpu.memory_space<vmem>>
      %dma_start3A_111 = tpu.memref_squeeze %dma_start3A_110 : memref<1x200x128xf32, #tpu.memory_space<vmem>> -> memref<200x128xf32, #tpu.memory_space<vmem>>
      %dma_start3A_112 = arith.constant 0 : i32
      %dma_start3A_113 = tpu.memref_slice %arg4[%add3A_106, %dma_start3A_112] : memref<320000x128xf32, #tpu.memory_space<hbm>> -> memref<200x128xf32, #tpu.memory_space<hbm>>
      %dma_start3A_114 = arith.constant 0 : i32
      %dma_start3A_115 = tpu.memref_slice %arg4[%add3A_106, %dma_start3A_114] : memref<320000x128xf32, #tpu.memory_space<hbm>> -> memref<200x128xf32, #tpu.memory_space<hbm>>
      %dma_start3A_116 = arith.constant 0 : i32
      %dma_start3A_117 = arith.constant 0 : i32
      %dma_start3A_118 = tpu.memref_slice %arg6[%dma_start3A_107, %dma_start3A_116, %dma_start3A_117] : memref<2x200x128xf32, #tpu.memory_space<vmem>> -> memref<1x200x128xf32, #tpu.memory_space<vmem>>
      %dma_start3A_119 = tpu.memref_squeeze %dma_start3A_118 : memref<1x200x128xf32, #tpu.memory_space<vmem>> -> memref<200x128xf32, #tpu.memory_space<vmem>>
      tpu.enqueue_dma source(%dma_start3A_119 : memref<200x128xf32, #tpu.memory_space<vmem>>) target(%dma_start3A_115 : memref<200x128xf32, #tpu.memory_space<hbm>>) target_semaphore(%arg9 : memref<!tpu.dma_semaphore, #tpu.memory_space<semaphore_mem>>)
    }
    %scan3A_7 = arith.constant 25 : i32
    %dma_wait3A = arith.constant 0 : i32
    %dma_wait3A_8 = arith.constant 0 : i32
    %dma_wait3A_9 = arith.constant 0 : i32
    %dma_wait3A_10 = tpu.memref_slice %arg6[%dma_wait3A, %dma_wait3A_8, %dma_wait3A_9] : memref<2x200x128xf32, #tpu.memory_space<vmem>> -> memref<1x200x128xf32, #tpu.memory_space<vmem>>
    %dma_wait3A_11 = tpu.memref_squeeze %dma_wait3A_10 : memref<1x200x128xf32, #tpu.memory_space<vmem>> -> memref<200x128xf32, #tpu.memory_space<vmem>>
    %dma_wait3A_12 = arith.constant 0 : i32
    %dma_wait3A_13 = tpu.memref_slice %arg4[%mul3A_2, %dma_wait3A_12] : memref<320000x128xf32, #tpu.memory_space<hbm>> -> memref<200x128xf32, #tpu.memory_space<hbm>>
    %dma_wait3A_14 = arith.constant 0 : i32
    %dma_wait3A_15 = tpu.memref_slice %arg4[%mul3A_2, %dma_wait3A_14] : memref<320000x128xf32, #tpu.memory_space<hbm>> -> memref<200x128xf32, #tpu.memory_space<hbm>>
    %dma_wait3A_16 = arith.constant 0 : i32
    %dma_wait3A_17 = arith.constant 0 : i32
    %dma_wait3A_18 = tpu.memref_slice %arg6[%dma_wait3A, %dma_wait3A_16, %dma_wait3A_17] : memref<2x200x128xf32, #tpu.memory_space<vmem>> -> memref<1x200x128xf32, #tpu.memory_space<vmem>>
    %dma_wait3A_19 = tpu.memref_squeeze %dma_wait3A_18 : memref<1x200x128xf32, #tpu.memory_space<vmem>> -> memref<200x128xf32, #tpu.memory_space<vmem>>
    tpu.wait_dma2 semaphore(%arg8 : memref<!tpu.dma_semaphore, #tpu.memory_space<semaphore_mem>>) src(%dma_wait3A_19 : memref<200x128xf32, #tpu.memory_space<vmem>>) dst(%dma_wait3A_15 : memref<200x128xf32, #tpu.memory_space<hbm>>)
    %dma_wait3A_20 = arith.constant 1 : i32
    %dma_wait3A_21 = arith.constant 0 : i32
    %dma_wait3A_22 = arith.constant 0 : i32
    %dma_wait3A_23 = tpu.memref_slice %arg6[%dma_wait3A_20, %dma_wait3A_21, %dma_wait3A_22] : memref<2x200x128xf32, #tpu.memory_space<vmem>> -> memref<1x200x128xf32, #tpu.memory_space<vmem>>
    %dma_wait3A_24 = tpu.memref_squeeze %dma_wait3A_23 : memref<1x200x128xf32, #tpu.memory_space<vmem>> -> memref<200x128xf32, #tpu.memory_space<vmem>>
    %dma_wait3A_25 = arith.constant 0 : i32
    %dma_wait3A_26 = tpu.memref_slice %arg4[%mul3A_2, %dma_wait3A_25] : memref<320000x128xf32, #tpu.memory_space<hbm>> -> memref<200x128xf32, #tpu.memory_space<hbm>>
    %dma_wait3A_27 = arith.constant 0 : i32
    %dma_wait3A_28 = tpu.memref_slice %arg4[%mul3A_2, %dma_wait3A_27] : memref<320000x128xf32, #tpu.memory_space<hbm>> -> memref<200x128xf32, #tpu.memory_space<hbm>>
    %dma_wait3A_29 = arith.constant 0 : i32
    %dma_wait3A_30 = arith.constant 0 : i32
    %dma_wait3A_31 = tpu.memref_slice %arg6[%dma_wait3A_20, %dma_wait3A_29, %dma_wait3A_30] : memref<2x200x128xf32, #tpu.memory_space<vmem>> -> memref<1x200x128xf32, #tpu.memory_space<vmem>>
    %dma_wait3A_32 = tpu.memref_squeeze %dma_wait3A_31 : memref<1x200x128xf32, #tpu.memory_space<vmem>> -> memref<200x128xf32, #tpu.memory_space<vmem>>
    tpu.wait_dma2 semaphore(%arg9 : memref<!tpu.dma_semaphore, #tpu.memory_space<semaphore_mem>>) src(%dma_wait3A_32 : memref<200x128xf32, #tpu.memory_space<vmem>>) dst(%dma_wait3A_28 : memref<200x128xf32, #tpu.memory_space<hbm>>)
    return
  }
}

#map = affine_map<(d0, d1) -> (0, 0)>
#map1 = affine_map<(d0, d1) -> (0, 0, 0)>
module attributes {stable_mosaic.version = 14 : i64} {
  func.func @_scatter_body(%arg0: i32, %arg1: i32, %arg2: memref<320000x128xf32, #tpu.memory_space<hbm>>, %arg3: memref<1600x200xi32, #tpu.memory_space<hbm>>, %arg4: memref<2x10240x64xf32, #tpu.memory_space<hbm>>, %arg5: memref<50x200xi32, #tpu.memory_space<vmem>>, %arg6: memref<2x200x64xf32, #tpu.memory_space<vmem>>, %arg7: memref<10240x64xf32, #tpu.memory_space<vmem_shared>>, %arg8: memref<!tpu.dma_semaphore, #tpu.memory_space<semaphore_mem>>, %arg9: memref<!tpu.dma_semaphore, #tpu.memory_space<semaphore_mem>>) attributes {dimension_semantics = [#tpu.dimension_semantics<core_parallel>, #tpu.dimension_semantics<subcore_parallel>], iteration_bounds = array<i64: 2, 16>, scalar_prefetch = 0 : i64, scratch_operands = 5 : i64, tpu.core_type = #tpu.core_type<sc_vector_subcore>, window_params = [{transform_indices = #map}, {transform_indices = #map}, {transform_indices = #map1}]} {
    %mul3A = arith.constant 16 : i32
    %mul3A_0 = arith.muli %arg0, %mul3A : i32
    %add3A = arith.addi %mul3A_0, %arg1 : i32
    %mul3A_1 = arith.constant 10000 : i32
    %mul3A_2 = arith.muli %add3A, %mul3A_1 : i32
    %broadcast_in_dim3A = arith.constant 0.000000e+00 : f32
    %broadcast_in_dim3A_3 = vector.broadcast %broadcast_in_dim3A : f32 to vector<16xf32>
    %scan3A = arith.constant 0 : i32
    %scan3A_4 = arith.constant 0 : i32
    %scan3A_5 = arith.constant 200 : i32
    %scan3A_6 = arith.addi %scan3A_4, %scan3A_5 : i32
    %scan3A_7 = arith.constant 1 : i32
    scf.for %scan3A_53 = %scan3A_4 to %scan3A_6 step %scan3A_7  : i32 {
      %swap3A = arith.constant 0 : i32
      %swap3A_54 = arith.index_cast %swap3A : i32 to index
      %swap3A_55 = arith.index_cast %scan3A_53 : i32 to index
      %swap3A_56 = arith.constant 0 : index
      %swap3A_57 = tpu.vector_load %arg6[%swap3A_54, %swap3A_55, %swap3A_56] {strides = array<i32>} : memref<2x200x64xf32, #tpu.memory_space<vmem>>, vector<1x1x16xf32>,
      %swap3A_58 = vector.shape_cast %swap3A_57 : vector<1x1x16xf32> to vector<16xf32>
      %swap3A_59 = vector.shape_cast %broadcast_in_dim3A_3 : vector<16xf32> to vector<1x1x16xf32>
      tpu.vector_store %arg6[%swap3A_54, %swap3A_55, %swap3A_56], %swap3A_59 {strides = array<i32>} : memref<2x200x64xf32, #tpu.memory_space<vmem>>, vector<1x1x16xf32>,
      %swap3A_60 = arith.constant 0 : i32
      %swap3A_61 = arith.index_cast %swap3A_60 : i32 to index
      %swap3A_62 = arith.index_cast %scan3A_53 : i32 to index
      %swap3A_63 = arith.constant 16 : index
      %swap3A_64 = tpu.vector_load %arg6[%swap3A_61, %swap3A_62, %swap3A_63] {strides = array<i32>} : memref<2x200x64xf32, #tpu.memory_space<vmem>>, vector<1x1x16xf32>,
      %swap3A_65 = vector.shape_cast %swap3A_64 : vector<1x1x16xf32> to vector<16xf32>
      %swap3A_66 = vector.shape_cast %broadcast_in_dim3A_3 : vector<16xf32> to vector<1x1x16xf32>
      tpu.vector_store %arg6[%swap3A_61, %swap3A_62, %swap3A_63], %swap3A_66 {strides = array<i32>} : memref<2x200x64xf32, #tpu.memory_space<vmem>>, vector<1x1x16xf32>,
      %swap3A_67 = arith.constant 0 : i32
      %swap3A_68 = arith.index_cast %swap3A_67 : i32 to index
      %swap3A_69 = arith.index_cast %scan3A_53 : i32 to index
      %swap3A_70 = arith.constant 32 : index
      %swap3A_71 = tpu.vector_load %arg6[%swap3A_68, %swap3A_69, %swap3A_70] {strides = array<i32>} : memref<2x200x64xf32, #tpu.memory_space<vmem>>, vector<1x1x16xf32>,
      %swap3A_72 = vector.shape_cast %swap3A_71 : vector<1x1x16xf32> to vector<16xf32>
      %swap3A_73 = vector.shape_cast %broadcast_in_dim3A_3 : vector<16xf32> to vector<1x1x16xf32>
      tpu.vector_store %arg6[%swap3A_68, %swap3A_69, %swap3A_70], %swap3A_73 {strides = array<i32>} : memref<2x200x64xf32, #tpu.memory_space<vmem>>, vector<1x1x16xf32>,
      %swap3A_74 = arith.constant 0 : i32
      %swap3A_75 = arith.index_cast %swap3A_74 : i32 to index
      %swap3A_76 = arith.index_cast %scan3A_53 : i32 to index
      %swap3A_77 = arith.constant 48 : index
      %swap3A_78 = tpu.vector_load %arg6[%swap3A_75, %swap3A_76, %swap3A_77] {strides = array<i32>} : memref<2x200x64xf32, #tpu.memory_space<vmem>>, vector<1x1x16xf32>,
      %swap3A_79 = vector.shape_cast %swap3A_78 : vector<1x1x16xf32> to vector<16xf32>
      %swap3A_80 = vector.shape_cast %broadcast_in_dim3A_3 : vector<16xf32> to vector<1x1x16xf32>
      tpu.vector_store %arg6[%swap3A_75, %swap3A_76, %swap3A_77], %swap3A_80 {strides = array<i32>} : memref<2x200x64xf32, #tpu.memory_space<vmem>>, vector<1x1x16xf32>,
    }
    %scan3A_8 = arith.constant 200 : i32
    %mul3A_9 = arith.constant 640 : i32
    %mul3A_10 = arith.muli %arg1, %mul3A_9 : i32
    %add3A_11 = arith.constant 0 : i32
    %add3A_12 = arith.addi %mul3A_10, %add3A_11 : i32
    %run_scoped3A = arith.constant 0 : i32
    "tpu.region"() ({
      %run_scoped3A_53 = tpu.sem_alloc : memref<!tpu.dma_semaphore, #tpu.memory_space<semaphore_mem>>
      %dma_start3A_54 = arith.constant 0 : i32
      %dma_start3A_55 = arith.constant 0 : i32
      %dma_start3A_56 = tpu.memref_slice %arg6[%run_scoped3A, %dma_start3A_54, %dma_start3A_55] : memref<2x200x64xf32, #tpu.memory_space<vmem>> -> memref<1x200x64xf32, #tpu.memory_space<vmem>>
      %dma_start3A_57 = tpu.memref_squeeze %dma_start3A_56 : memref<1x200x64xf32, #tpu.memory_space<vmem>> -> memref<200x64xf32, #tpu.memory_space<vmem>>
      %dma_start3A_58 = arith.constant 0 : i32
      %dma_start3A_59 = tpu.memref_slice %arg7[%add3A_12, %dma_start3A_58] : memref<10240x64xf32, #tpu.memory_space<vmem_shared>> -> memref<200x64xf32, #tpu.memory_space<vmem_shared>>
      %dma_start3A_60 = arith.constant 0 : i32
      %dma_start3A_61 = tpu.memref_slice %arg7[%add3A_12, %dma_start3A_60] : memref<10240x64xf32, #tpu.memory_space<vmem_shared>> -> memref<200x64xf32, #tpu.memory_space<vmem_shared>>
      %dma_start3A_62 = arith.constant 0 : i32
      %dma_start3A_63 = arith.constant 0 : i32
      %dma_start3A_64 = tpu.memref_slice %arg6[%run_scoped3A, %dma_start3A_62, %dma_start3A_63] : memref<2x200x64xf32, #tpu.memory_space<vmem>> -> memref<1x200x64xf32, #tpu.memory_space<vmem>>
      %dma_start3A_65 = tpu.memref_squeeze %dma_start3A_64 : memref<1x200x64xf32, #tpu.memory_space<vmem>> -> memref<200x64xf32, #tpu.memory_space<vmem>>
      tpu.enqueue_dma source(%dma_start3A_65 : memref<200x64xf32, #tpu.memory_space<vmem>>) target(%dma_start3A_61 : memref<200x64xf32, #tpu.memory_space<vmem_shared>>) target_semaphore(%run_scoped3A_53 : memref<!tpu.dma_semaphore, #tpu.memory_space<semaphore_mem>>)
      %dma_wait3A = arith.constant 0 : i32
      %dma_wait3A_66 = arith.constant 0 : i32
      %dma_wait3A_67 = tpu.memref_slice %arg6[%run_scoped3A, %dma_wait3A, %dma_wait3A_66] : memref<2x200x64xf32, #tpu.memory_space<vmem>> -> memref<1x200x64xf32, #tpu.memory_space<vmem>>
      %dma_wait3A_68 = tpu.memref_squeeze %dma_wait3A_67 : memref<1x200x64xf32, #tpu.memory_space<vmem>> -> memref<200x64xf32, #tpu.memory_space<vmem>>
      %dma_wait3A_69 = arith.constant 0 : i32
      %dma_wait3A_70 = tpu.memref_slice %arg7[%add3A_12, %dma_wait3A_69] : memref<10240x64xf32, #tpu.memory_space<vmem_shared>> -> memref<200x64xf32, #tpu.memory_space<vmem_shared>>
      %dma_wait3A_71 = arith.constant 0 : i32
      %dma_wait3A_72 = tpu.memref_slice %arg7[%add3A_12, %dma_wait3A_71] : memref<10240x64xf32, #tpu.memory_space<vmem_shared>> -> memref<200x64xf32, #tpu.memory_space<vmem_shared>>
      %dma_wait3A_73 = arith.constant 0 : i32
      %dma_wait3A_74 = arith.constant 0 : i32
      %dma_wait3A_75 = tpu.memref_slice %arg6[%run_scoped3A, %dma_wait3A_73, %dma_wait3A_74] : memref<2x200x64xf32, #tpu.memory_space<vmem>> -> memref<1x200x64xf32, #tpu.memory_space<vmem>>
      %dma_wait3A_76 = tpu.memref_squeeze %dma_wait3A_75 : memref<1x200x64xf32, #tpu.memory_space<vmem>> -> memref<200x64xf32, #tpu.memory_space<vmem>>
      tpu.wait_dma2 semaphore(%run_scoped3A_53 : memref<!tpu.dma_semaphore, #tpu.memory_space<semaphore_mem>>) src(%dma_wait3A_76 : memref<200x64xf32, #tpu.memory_space<vmem>>) dst(%dma_wait3A_72 : memref<200x64xf32, #tpu.memory_space<vmem_shared>>)
      tpu.yield
    }) : () -> ()
    %mul3A_13 = arith.constant 640 : i32
    %mul3A_14 = arith.muli %arg1, %mul3A_13 : i32
    %add3A_15 = arith.constant 200 : i32
    %add3A_16 = arith.addi %mul3A_14, %add3A_15 : i32
    %run_scoped3A_17 = arith.constant 0 : i32
    "tpu.region"() ({
      %run_scoped3A_53 = tpu.sem_alloc : memref<!tpu.dma_semaphore, #tpu.memory_space<semaphore_mem>>
      %dma_start3A_54 = arith.constant 0 : i32
      %dma_start3A_55 = arith.constant 0 : i32
      %dma_start3A_56 = tpu.memref_slice %arg6[%run_scoped3A_17, %dma_start3A_54, %dma_start3A_55] : memref<2x200x64xf32, #tpu.memory_space<vmem>> -> memref<1x200x64xf32, #tpu.memory_space<vmem>>
      %dma_start3A_57 = tpu.memref_squeeze %dma_start3A_56 : memref<1x200x64xf32, #tpu.memory_space<vmem>> -> memref<200x64xf32, #tpu.memory_space<vmem>>
      %dma_start3A_58 = arith.constant 0 : i32
      %dma_start3A_59 = tpu.memref_slice %arg7[%add3A_16, %dma_start3A_58] : memref<10240x64xf32, #tpu.memory_space<vmem_shared>> -> memref<200x64xf32, #tpu.memory_space<vmem_shared>>
      %dma_start3A_60 = arith.constant 0 : i32
      %dma_start3A_61 = tpu.memref_slice %arg7[%add3A_16, %dma_start3A_60] : memref<10240x64xf32, #tpu.memory_space<vmem_shared>> -> memref<200x64xf32, #tpu.memory_space<vmem_shared>>
      %dma_start3A_62 = arith.constant 0 : i32
      %dma_start3A_63 = arith.constant 0 : i32
      %dma_start3A_64 = tpu.memref_slice %arg6[%run_scoped3A_17, %dma_start3A_62, %dma_start3A_63] : memref<2x200x64xf32, #tpu.memory_space<vmem>> -> memref<1x200x64xf32, #tpu.memory_space<vmem>>
      %dma_start3A_65 = tpu.memref_squeeze %dma_start3A_64 : memref<1x200x64xf32, #tpu.memory_space<vmem>> -> memref<200x64xf32, #tpu.memory_space<vmem>>
      tpu.enqueue_dma source(%dma_start3A_65 : memref<200x64xf32, #tpu.memory_space<vmem>>) target(%dma_start3A_61 : memref<200x64xf32, #tpu.memory_space<vmem_shared>>) target_semaphore(%run_scoped3A_53 : memref<!tpu.dma_semaphore, #tpu.memory_space<semaphore_mem>>)
      %dma_wait3A = arith.constant 0 : i32
      %dma_wait3A_66 = arith.constant 0 : i32
      %dma_wait3A_67 = tpu.memref_slice %arg6[%run_scoped3A_17, %dma_wait3A, %dma_wait3A_66] : memref<2x200x64xf32, #tpu.memory_space<vmem>> -> memref<1x200x64xf32, #tpu.memory_space<vmem>>
      %dma_wait3A_68 = tpu.memref_squeeze %dma_wait3A_67 : memref<1x200x64xf32, #tpu.memory_space<vmem>> -> memref<200x64xf32, #tpu.memory_space<vmem>>
      %dma_wait3A_69 = arith.constant 0 : i32
      %dma_wait3A_70 = tpu.memref_slice %arg7[%add3A_16, %dma_wait3A_69] : memref<10240x64xf32, #tpu.memory_space<vmem_shared>> -> memref<200x64xf32, #tpu.memory_space<vmem_shared>>
      %dma_wait3A_71 = arith.constant 0 : i32
      %dma_wait3A_72 = tpu.memref_slice %arg7[%add3A_16, %dma_wait3A_71] : memref<10240x64xf32, #tpu.memory_space<vmem_shared>> -> memref<200x64xf32, #tpu.memory_space<vmem_shared>>
      %dma_wait3A_73 = arith.constant 0 : i32
      %dma_wait3A_74 = arith.constant 0 : i32
      %dma_wait3A_75 = tpu.memref_slice %arg6[%run_scoped3A_17, %dma_wait3A_73, %dma_wait3A_74] : memref<2x200x64xf32, #tpu.memory_space<vmem>> -> memref<1x200x64xf32, #tpu.memory_space<vmem>>
      %dma_wait3A_76 = tpu.memref_squeeze %dma_wait3A_75 : memref<1x200x64xf32, #tpu.memory_space<vmem>> -> memref<200x64xf32, #tpu.memory_space<vmem>>
      tpu.wait_dma2 semaphore(%run_scoped3A_53 : memref<!tpu.dma_semaphore, #tpu.memory_space<semaphore_mem>>) src(%dma_wait3A_76 : memref<200x64xf32, #tpu.memory_space<vmem>>) dst(%dma_wait3A_72 : memref<200x64xf32, #tpu.memory_space<vmem_shared>>)
      tpu.yield
    }) : () -> ()
    %mul3A_18 = arith.constant 640 : i32
    %mul3A_19 = arith.muli %arg1, %mul3A_18 : i32
    %add3A_20 = arith.constant 400 : i32
    %add3A_21 = arith.addi %mul3A_19, %add3A_20 : i32
    %run_scoped3A_22 = arith.constant 0 : i32
    "tpu.region"() ({
      %run_scoped3A_53 = tpu.sem_alloc : memref<!tpu.dma_semaphore, #tpu.memory_space<semaphore_mem>>
      %dma_start3A_54 = arith.constant 0 : i32
      %dma_start3A_55 = arith.constant 0 : i32
      %dma_start3A_56 = tpu.memref_slice %arg6[%run_scoped3A_22, %dma_start3A_54, %dma_start3A_55] : memref<2x200x64xf32, #tpu.memory_space<vmem>> -> memref<1x200x64xf32, #tpu.memory_space<vmem>>
      %dma_start3A_57 = tpu.memref_squeeze %dma_start3A_56 : memref<1x200x64xf32, #tpu.memory_space<vmem>> -> memref<200x64xf32, #tpu.memory_space<vmem>>
      %dma_start3A_58 = arith.constant 0 : i32
      %dma_start3A_59 = tpu.memref_slice %arg7[%add3A_21, %dma_start3A_58] : memref<10240x64xf32, #tpu.memory_space<vmem_shared>> -> memref<200x64xf32, #tpu.memory_space<vmem_shared>>
      %dma_start3A_60 = arith.constant 0 : i32
      %dma_start3A_61 = tpu.memref_slice %arg7[%add3A_21, %dma_start3A_60] : memref<10240x64xf32, #tpu.memory_space<vmem_shared>> -> memref<200x64xf32, #tpu.memory_space<vmem_shared>>
      %dma_start3A_62 = arith.constant 0 : i32
      %dma_start3A_63 = arith.constant 0 : i32
      %dma_start3A_64 = tpu.memref_slice %arg6[%run_scoped3A_22, %dma_start3A_62, %dma_start3A_63] : memref<2x200x64xf32, #tpu.memory_space<vmem>> -> memref<1x200x64xf32, #tpu.memory_space<vmem>>
      %dma_start3A_65 = tpu.memref_squeeze %dma_start3A_64 : memref<1x200x64xf32, #tpu.memory_space<vmem>> -> memref<200x64xf32, #tpu.memory_space<vmem>>
      tpu.enqueue_dma source(%dma_start3A_65 : memref<200x64xf32, #tpu.memory_space<vmem>>) target(%dma_start3A_61 : memref<200x64xf32, #tpu.memory_space<vmem_shared>>) target_semaphore(%run_scoped3A_53 : memref<!tpu.dma_semaphore, #tpu.memory_space<semaphore_mem>>)
      %dma_wait3A = arith.constant 0 : i32
      %dma_wait3A_66 = arith.constant 0 : i32
      %dma_wait3A_67 = tpu.memref_slice %arg6[%run_scoped3A_22, %dma_wait3A, %dma_wait3A_66] : memref<2x200x64xf32, #tpu.memory_space<vmem>> -> memref<1x200x64xf32, #tpu.memory_space<vmem>>
      %dma_wait3A_68 = tpu.memref_squeeze %dma_wait3A_67 : memref<1x200x64xf32, #tpu.memory_space<vmem>> -> memref<200x64xf32, #tpu.memory_space<vmem>>
      %dma_wait3A_69 = arith.constant 0 : i32
      %dma_wait3A_70 = tpu.memref_slice %arg7[%add3A_21, %dma_wait3A_69] : memref<10240x64xf32, #tpu.memory_space<vmem_shared>> -> memref<200x64xf32, #tpu.memory_space<vmem_shared>>
      %dma_wait3A_71 = arith.constant 0 : i32
      %dma_wait3A_72 = tpu.memref_slice %arg7[%add3A_21, %dma_wait3A_71] : memref<10240x64xf32, #tpu.memory_space<vmem_shared>> -> memref<200x64xf32, #tpu.memory_space<vmem_shared>>
      %dma_wait3A_73 = arith.constant 0 : i32
      %dma_wait3A_74 = arith.constant 0 : i32
      %dma_wait3A_75 = tpu.memref_slice %arg6[%run_scoped3A_22, %dma_wait3A_73, %dma_wait3A_74] : memref<2x200x64xf32, #tpu.memory_space<vmem>> -> memref<1x200x64xf32, #tpu.memory_space<vmem>>
      %dma_wait3A_76 = tpu.memref_squeeze %dma_wait3A_75 : memref<1x200x64xf32, #tpu.memory_space<vmem>> -> memref<200x64xf32, #tpu.memory_space<vmem>>
      tpu.wait_dma2 semaphore(%run_scoped3A_53 : memref<!tpu.dma_semaphore, #tpu.memory_space<semaphore_mem>>) src(%dma_wait3A_76 : memref<200x64xf32, #tpu.memory_space<vmem>>) dst(%dma_wait3A_72 : memref<200x64xf32, #tpu.memory_space<vmem_shared>>)
      tpu.yield
    }) : () -> ()
    %mul3A_23 = arith.constant 640 : i32
    %mul3A_24 = arith.muli %arg1, %mul3A_23 : i32
    %add3A_25 = arith.constant 600 : i32
    %add3A_26 = arith.addi %mul3A_24, %add3A_25 : i32
    %run_scoped3A_27 = arith.constant 0 : i32
    "tpu.region"() ({
      %run_scoped3A_53 = tpu.sem_alloc : memref<!tpu.dma_semaphore, #tpu.memory_space<semaphore_mem>>
      %dma_start3A_54 = arith.constant 0 : i32
      %dma_start3A_55 = arith.constant 0 : i32
      %dma_start3A_56 = tpu.memref_slice %arg6[%run_scoped3A_27, %dma_start3A_54, %dma_start3A_55] : memref<2x200x64xf32, #tpu.memory_space<vmem>> -> memref<1x40x64xf32, #tpu.memory_space<vmem>>
      %dma_start3A_57 = tpu.memref_squeeze %dma_start3A_56 : memref<1x40x64xf32, #tpu.memory_space<vmem>> -> memref<40x64xf32, #tpu.memory_space<vmem>>
      %dma_start3A_58 = arith.constant 0 : i32
      %dma_start3A_59 = tpu.memref_slice %arg7[%add3A_26, %dma_start3A_58] : memref<10240x64xf32, #tpu.memory_space<vmem_shared>> -> memref<40x64xf32, #tpu.memory_space<vmem_shared>>
      %dma_start3A_60 = arith.constant 0 : i32
      %dma_start3A_61 = tpu.memref_slice %arg7[%add3A_26, %dma_start3A_60] : memref<10240x64xf32, #tpu.memory_space<vmem_shared>> -> memref<40x64xf32, #tpu.memory_space<vmem_shared>>
      %dma_start3A_62 = arith.constant 0 : i32
      %dma_start3A_63 = arith.constant 0 : i32
      %dma_start3A_64 = tpu.memref_slice %arg6[%run_scoped3A_27, %dma_start3A_62, %dma_start3A_63] : memref<2x200x64xf32, #tpu.memory_space<vmem>> -> memref<1x40x64xf32, #tpu.memory_space<vmem>>
      %dma_start3A_65 = tpu.memref_squeeze %dma_start3A_64 : memref<1x40x64xf32, #tpu.memory_space<vmem>> -> memref<40x64xf32, #tpu.memory_space<vmem>>
      tpu.enqueue_dma source(%dma_start3A_65 : memref<40x64xf32, #tpu.memory_space<vmem>>) target(%dma_start3A_61 : memref<40x64xf32, #tpu.memory_space<vmem_shared>>) target_semaphore(%run_scoped3A_53 : memref<!tpu.dma_semaphore, #tpu.memory_space<semaphore_mem>>)
      %dma_wait3A = arith.constant 0 : i32
      %dma_wait3A_66 = arith.constant 0 : i32
      %dma_wait3A_67 = tpu.memref_slice %arg6[%run_scoped3A_27, %dma_wait3A, %dma_wait3A_66] : memref<2x200x64xf32, #tpu.memory_space<vmem>> -> memref<1x40x64xf32, #tpu.memory_space<vmem>>
      %dma_wait3A_68 = tpu.memref_squeeze %dma_wait3A_67 : memref<1x40x64xf32, #tpu.memory_space<vmem>> -> memref<40x64xf32, #tpu.memory_space<vmem>>
      %dma_wait3A_69 = arith.constant 0 : i32
      %dma_wait3A_70 = tpu.memref_slice %arg7[%add3A_26, %dma_wait3A_69] : memref<10240x64xf32, #tpu.memory_space<vmem_shared>> -> memref<40x64xf32, #tpu.memory_space<vmem_shared>>
      %dma_wait3A_71 = arith.constant 0 : i32
      %dma_wait3A_72 = tpu.memref_slice %arg7[%add3A_26, %dma_wait3A_71] : memref<10240x64xf32, #tpu.memory_space<vmem_shared>> -> memref<40x64xf32, #tpu.memory_space<vmem_shared>>
      %dma_wait3A_73 = arith.constant 0 : i32
      %dma_wait3A_74 = arith.constant 0 : i32
      %dma_wait3A_75 = tpu.memref_slice %arg6[%run_scoped3A_27, %dma_wait3A_73, %dma_wait3A_74] : memref<2x200x64xf32, #tpu.memory_space<vmem>> -> memref<1x40x64xf32, #tpu.memory_space<vmem>>
      %dma_wait3A_76 = tpu.memref_squeeze %dma_wait3A_75 : memref<1x40x64xf32, #tpu.memory_space<vmem>> -> memref<40x64xf32, #tpu.memory_space<vmem>>
      tpu.wait_dma2 semaphore(%run_scoped3A_53 : memref<!tpu.dma_semaphore, #tpu.memory_space<semaphore_mem>>) src(%dma_wait3A_76 : memref<40x64xf32, #tpu.memory_space<vmem>>) dst(%dma_wait3A_72 : memref<40x64xf32, #tpu.memory_space<vmem_shared>>)
      tpu.yield
    }) : () -> ()
    %mul3A_28 = arith.constant 50 : i32
    %mul3A_29 = arith.muli %add3A, %mul3A_28 : i32
    "tpu.region"() ({
      %run_scoped3A_53 = tpu.sem_alloc : memref<!tpu.dma_semaphore, #tpu.memory_space<semaphore_mem>>
      %dma_start3A_54 = arith.constant 0 : i32
      %dma_start3A_55 = tpu.memref_slice %arg3[%mul3A_29, %dma_start3A_54] : memref<1600x200xi32, #tpu.memory_space<hbm>> -> memref<50x200xi32, #tpu.memory_space<hbm>>
      %dma_start3A_56 = arith.constant 0 : i32
      %dma_start3A_57 = tpu.memref_slice %arg3[%mul3A_29, %dma_start3A_56] : memref<1600x200xi32, #tpu.memory_space<hbm>> -> memref<50x200xi32, #tpu.memory_space<hbm>>
      tpu.enqueue_dma source(%dma_start3A_57 : memref<50x200xi32, #tpu.memory_space<hbm>>) target(%arg5 : memref<50x200xi32, #tpu.memory_space<vmem>>) target_semaphore(%run_scoped3A_53 : memref<!tpu.dma_semaphore, #tpu.memory_space<semaphore_mem>>)
      %dma_wait3A = arith.constant 0 : i32
      %dma_wait3A_58 = tpu.memref_slice %arg3[%mul3A_29, %dma_wait3A] : memref<1600x200xi32, #tpu.memory_space<hbm>> -> memref<50x200xi32, #tpu.memory_space<hbm>>
      %dma_wait3A_59 = arith.constant 0 : i32
      %dma_wait3A_60 = tpu.memref_slice %arg3[%mul3A_29, %dma_wait3A_59] : memref<1600x200xi32, #tpu.memory_space<hbm>> -> memref<50x200xi32, #tpu.memory_space<hbm>>
      tpu.wait_dma2 semaphore(%run_scoped3A_53 : memref<!tpu.dma_semaphore, #tpu.memory_space<semaphore_mem>>) src(%dma_wait3A_60 : memref<50x200xi32, #tpu.memory_space<hbm>>) dst(%arg5 : memref<50x200xi32, #tpu.memory_space<vmem>>)
      tpu.yield
    }) : () -> ()
    %barrier3A = arith.constant 0 : index
    tpu.barrier barrier_id(%barrier3A)
    %dma_start3A = arith.constant 0 : i32
    %dma_start3A_30 = arith.constant 0 : i32
    %dma_start3A_31 = arith.constant 0 : i32
    %dma_start3A_32 = tpu.memref_slice %arg6[%dma_start3A, %dma_start3A_30, %dma_start3A_31] : memref<2x200x64xf32, #tpu.memory_space<vmem>> -> memref<1x200x64xf32, #tpu.memory_space<vmem>>
    %dma_start3A_33 = tpu.memref_squeeze %dma_start3A_32 : memref<1x200x64xf32, #tpu.memory_space<vmem>> -> memref<200x64xf32, #tpu.memory_space<vmem>>
    %dma_start3A_34 = arith.constant 0 : i32
    %dma_start3A_35 = tpu.memref_slice %arg2[%mul3A_2, %dma_start3A_34] : memref<320000x128xf32, #tpu.memory_space<hbm>> -> memref<200x64xf32, #tpu.memory_space<hbm>>
    %dma_start3A_36 = arith.constant 0 : i32
    %dma_start3A_37 = arith.constant 0 : i32
    %dma_start3A_38 = tpu.memref_slice %arg6[%dma_start3A, %dma_start3A_36, %dma_start3A_37] : memref<2x200x64xf32, #tpu.memory_space<vmem>> -> memref<1x200x64xf32, #tpu.memory_space<vmem>>
    %dma_start3A_39 = tpu.memref_squeeze %dma_start3A_38 : memref<1x200x64xf32, #tpu.memory_space<vmem>> -> memref<200x64xf32, #tpu.memory_space<vmem>>
    %dma_start3A_40 = arith.constant 0 : i32
    %dma_start3A_41 = tpu.memref_slice %arg2[%mul3A_2, %dma_start3A_40] : memref<320000x128xf32, #tpu.memory_space<hbm>> -> memref<200x64xf32, #tpu.memory_space<hbm>>
    tpu.enqueue_dma source(%dma_start3A_41 : memref<200x64xf32, #tpu.memory_space<hbm>>) target(%dma_start3A_39 : memref<200x64xf32, #tpu.memory_space<vmem>>) target_semaphore(%arg8 : memref<!tpu.dma_semaphore, #tpu.memory_space<semaphore_mem>>)
    %scan3A_42 = arith.constant 0 : i32
    %scan3A_43 = arith.constant 0 : i32
    %scan3A_44 = arith.constant 25 : i32
    %scan3A_45 = arith.addi %scan3A_43, %scan3A_44 : i32
    %scan3A_46 = arith.constant 1 : i32
    scf.for %scan3A_53 = %scan3A_43 to %scan3A_45 step %scan3A_46  : i32 {
      %mul3A_54 = arith.constant 2 : i32
      %mul3A_55 = arith.muli %scan3A_53, %mul3A_54 : i32
      %add3A_56 = arith.constant 0 : i32
      %add3A_57 = arith.addi %mul3A_55, %add3A_56 : i32
      %dma_wait3A = arith.constant 0 : i32
      %dma_wait3A_58 = arith.constant 0 : i32
      %dma_wait3A_59 = arith.constant 0 : i32
      %dma_wait3A_60 = tpu.memref_slice %arg6[%dma_wait3A, %dma_wait3A_58, %dma_wait3A_59] : memref<2x200x64xf32, #tpu.memory_space<vmem>> -> memref<1x200x64xf32, #tpu.memory_space<vmem>>
      %dma_wait3A_61 = tpu.memref_squeeze %dma_wait3A_60 : memref<1x200x64xf32, #tpu.memory_space<vmem>> -> memref<200x64xf32, #tpu.memory_space<vmem>>
      %dma_wait3A_62 = arith.constant 0 : i32
      %dma_wait3A_63 = tpu.memref_slice %arg2[%mul3A_2, %dma_wait3A_62] : memref<320000x128xf32, #tpu.memory_space<hbm>> -> memref<200x64xf32, #tpu.memory_space<hbm>>
      %dma_wait3A_64 = arith.constant 0 : i32
      %dma_wait3A_65 = arith.constant 0 : i32
      %dma_wait3A_66 = tpu.memref_slice %arg6[%dma_wait3A, %dma_wait3A_64, %dma_wait3A_65] : memref<2x200x64xf32, #tpu.memory_space<vmem>> -> memref<1x200x64xf32, #tpu.memory_space<vmem>>
      %dma_wait3A_67 = tpu.memref_squeeze %dma_wait3A_66 : memref<1x200x64xf32, #tpu.memory_space<vmem>> -> memref<200x64xf32, #tpu.memory_space<vmem>>
      %dma_wait3A_68 = arith.constant 0 : i32
      %dma_wait3A_69 = tpu.memref_slice %arg2[%mul3A_2, %dma_wait3A_68] : memref<320000x128xf32, #tpu.memory_space<hbm>> -> memref<200x64xf32, #tpu.memory_space<hbm>>
      tpu.wait_dma2 semaphore(%arg8 : memref<!tpu.dma_semaphore, #tpu.memory_space<semaphore_mem>>) src(%dma_wait3A_69 : memref<200x64xf32, #tpu.memory_space<hbm>>) dst(%dma_wait3A_67 : memref<200x64xf32, #tpu.memory_space<vmem>>)
      %add3A_70 = arith.constant 1 : i32
      %add3A_71 = arith.addi %add3A_57, %add3A_70 : i32
      %lt3A = arith.constant 50 : i32
      %lt3A_72 = arith.cmpi slt, %add3A_71, %lt3A : i32
      %convert_element_type3A = arith.extui %lt3A_72 : i1 to i32
      %cond3A = arith.constant 0 : i32
      %cond3A_73 = arith.cmpi ne, %convert_element_type3A, %cond3A : i32
      scf.if %cond3A_73 {
        %add3A_100 = arith.constant 1 : i32
        %add3A_101 = arith.addi %add3A_57, %add3A_100 : i32
        %mul3A_102 = arith.constant 200 : i32
        %mul3A_103 = arith.muli %add3A_101, %mul3A_102 : i32
        %add3A_104 = arith.addi %mul3A_2, %mul3A_103 : i32
        %dma_start3A_105 = arith.constant 1 : i32
        %dma_start3A_106 = arith.constant 0 : i32
        %dma_start3A_107 = arith.constant 0 : i32
        %dma_start3A_108 = tpu.memref_slice %arg6[%dma_start3A_105, %dma_start3A_106, %dma_start3A_107] : memref<2x200x64xf32, #tpu.memory_space<vmem>> -> memref<1x200x64xf32, #tpu.memory_space<vmem>>
        %dma_start3A_109 = tpu.memref_squeeze %dma_start3A_108 : memref<1x200x64xf32, #tpu.memory_space<vmem>> -> memref<200x64xf32, #tpu.memory_space<vmem>>
        %dma_start3A_110 = arith.constant 0 : i32
        %dma_start3A_111 = tpu.memref_slice %arg2[%add3A_104, %dma_start3A_110] : memref<320000x128xf32, #tpu.memory_space<hbm>> -> memref<200x64xf32, #tpu.memory_space<hbm>>
        %dma_start3A_112 = arith.constant 0 : i32
        %dma_start3A_113 = arith.constant 0 : i32
        %dma_start3A_114 = tpu.memref_slice %arg6[%dma_start3A_105, %dma_start3A_112, %dma_start3A_113] : memref<2x200x64xf32, #tpu.memory_space<vmem>> -> memref<1x200x64xf32, #tpu.memory_space<vmem>>
        %dma_start3A_115 = tpu.memref_squeeze %dma_start3A_114 : memref<1x200x64xf32, #tpu.memory_space<vmem>> -> memref<200x64xf32, #tpu.memory_space<vmem>>
        %dma_start3A_116 = arith.constant 0 : i32
        %dma_start3A_117 = tpu.memref_slice %arg2[%add3A_104, %dma_start3A_116] : memref<320000x128xf32, #tpu.memory_space<hbm>> -> memref<200x64xf32, #tpu.memory_space<hbm>>
        tpu.enqueue_dma source(%dma_start3A_117 : memref<200x64xf32, #tpu.memory_space<hbm>>) target(%dma_start3A_115 : memref<200x64xf32, #tpu.memory_space<vmem>>) target_semaphore(%arg9 : memref<!tpu.dma_semaphore, #tpu.memory_space<semaphore_mem>>)
      } else {
      }
      %run_scoped3A_74 = arith.constant 0 : i32
      "tpu.region"() ({
        %run_scoped3A_100 = tpu.sem_alloc : memref<!tpu.dma_semaphore, #tpu.memory_space<semaphore_mem>>
        %dma_start3A_101 = arith.constant 0 : i32
        %dma_start3A_102 = arith.constant 0 : i32
        %dma_start3A_103 = tpu.memref_slice %arg6[%run_scoped3A_74, %dma_start3A_101, %dma_start3A_102] : memref<2x200x64xf32, #tpu.memory_space<vmem>> -> memref<1x200x64xf32, #tpu.memory_space<vmem>>
        %dma_start3A_104 = tpu.memref_squeeze %dma_start3A_103 : memref<1x200x64xf32, #tpu.memory_space<vmem>> -> memref<200x64xf32, #tpu.memory_space<vmem>>
        %dma_start3A_105 = arith.constant 0 : i32
        %dma_start3A_106 = tpu.memref_slice %arg5[%add3A_57, %dma_start3A_105] : memref<50x200xi32, #tpu.memory_space<vmem>> -> memref<1x200xi32, #tpu.memory_space<vmem>>
        %dma_start3A_107 = tpu.memref_squeeze %dma_start3A_106 : memref<1x200xi32, #tpu.memory_space<vmem>> -> memref<200xi32, #tpu.memory_space<vmem>>
        %dma_start3A_108 = arith.constant 0 : i32
        %dma_start3A_109 = arith.constant 0 : i32
        %dma_start3A_110 = tpu.memref_slice %arg7[%dma_start3A_108, %dma_start3A_109] : memref<10240x64xf32, #tpu.memory_space<vmem_shared>> -> memref<10240x64xf32, #tpu.memory_space<vmem_shared>>
        tpu.enqueue_indirect_dma source(%dma_start3A_104 : memref<200x64xf32, #tpu.memory_space<vmem>>) target(%dma_start3A_110 : memref<10240x64xf32, #tpu.memory_space<vmem_shared>>) offsets(%dma_start3A_107 : memref<200xi32, #tpu.memory_space<vmem>>) semaphore(%run_scoped3A_100 : memref<!tpu.dma_semaphore, #tpu.memory_space<semaphore_mem>>) {add = true}
        %dma_wait3A_111 = arith.constant 0 : i32
        %dma_wait3A_112 = arith.constant 0 : i32
        %dma_wait3A_113 = tpu.memref_slice %arg6[%run_scoped3A_74, %dma_wait3A_111, %dma_wait3A_112] : memref<2x200x64xf32, #tpu.memory_space<vmem>> -> memref<1x200x64xf32, #tpu.memory_space<vmem>>
        %dma_wait3A_114 = tpu.memref_squeeze %dma_wait3A_113 : memref<1x200x64xf32, #tpu.memory_space<vmem>> -> memref<200x64xf32, #tpu.memory_space<vmem>>
        %dma_wait3A_115 = arith.constant 0 : i32
        %dma_wait3A_116 = tpu.memref_slice %arg5[%add3A_57, %dma_wait3A_115] : memref<50x200xi32, #tpu.memory_space<vmem>> -> memref<1x200xi32, #tpu.memory_space<vmem>>
        %dma_wait3A_117 = tpu.memref_squeeze %dma_wait3A_116 : memref<1x200xi32, #tpu.memory_space<vmem>> -> memref<200xi32, #tpu.memory_space<vmem>>
        %dma_wait3A_118 = arith.constant 0 : i32
        %dma_wait3A_119 = arith.constant 0 : i32
        %dma_wait3A_120 = tpu.memref_slice %arg7[%dma_wait3A_118, %dma_wait3A_119] : memref<10240x64xf32, #tpu.memory_space<vmem_shared>> -> memref<10240x64xf32, #tpu.memory_space<vmem_shared>>
        tpu.wait_indirect_dma semaphore(%run_scoped3A_100 : memref<!tpu.dma_semaphore, #tpu.memory_space<semaphore_mem>>) src(%dma_wait3A_114 : memref<200x64xf32, #tpu.memory_space<vmem>>) dst(%dma_wait3A_120 : memref<10240x64xf32, #tpu.memory_space<vmem_shared>>)
        tpu.yield
      }) : () -> ()
      %mul3A_75 = arith.constant 2 : i32
      %mul3A_76 = arith.muli %scan3A_53, %mul3A_75 : i32
      %add3A_77 = arith.constant 1 : i32
      %add3A_78 = arith.addi %mul3A_76, %add3A_77 : i32
      %dma_wait3A_79 = arith.constant 1 : i32
      %dma_wait3A_80 = arith.constant 0 : i32
      %dma_wait3A_81 = arith.constant 0 : i32
      %dma_wait3A_82 = tpu.memref_slice %arg6[%dma_wait3A_79, %dma_wait3A_80, %dma_wait3A_81] : memref<2x200x64xf32, #tpu.memory_space<vmem>> -> memref<1x200x64xf32, #tpu.memory_space<vmem>>
      %dma_wait3A_83 = tpu.memref_squeeze %dma_wait3A_82 : memref<1x200x64xf32, #tpu.memory_space<vmem>> -> memref<200x64xf32, #tpu.memory_space<vmem>>
      %dma_wait3A_84 = arith.constant 0 : i32
      %dma_wait3A_85 = tpu.memref_slice %arg2[%mul3A_2, %dma_wait3A_84] : memref<320000x128xf32, #tpu.memory_space<hbm>> -> memref<200x64xf32, #tpu.memory_space<hbm>>
      %dma_wait3A_86 = arith.constant 0 : i32
      %dma_wait3A_87 = arith.constant 0 : i32
      %dma_wait3A_88 = tpu.memref_slice %arg6[%dma_wait3A_79, %dma_wait3A_86, %dma_wait3A_87] : memref<2x200x64xf32, #tpu.memory_space<vmem>> -> memref<1x200x64xf32, #tpu.memory_space<vmem>>
      %dma_wait3A_89 = tpu.memref_squeeze %dma_wait3A_88 : memref<1x200x64xf32, #tpu.memory_space<vmem>> -> memref<200x64xf32, #tpu.memory_space<vmem>>
      %dma_wait3A_90 = arith.constant 0 : i32
      %dma_wait3A_91 = tpu.memref_slice %arg2[%mul3A_2, %dma_wait3A_90] : memref<320000x128xf32, #tpu.memory_space<hbm>> -> memref<200x64xf32, #tpu.memory_space<hbm>>
      tpu.wait_dma2 semaphore(%arg9 : memref<!tpu.dma_semaphore, #tpu.memory_space<semaphore_mem>>) src(%dma_wait3A_91 : memref<200x64xf32, #tpu.memory_space<hbm>>) dst(%dma_wait3A_89 : memref<200x64xf32, #tpu.memory_space<vmem>>)
      %add3A_92 = arith.constant 1 : i32
      %add3A_93 = arith.addi %add3A_78, %add3A_92 : i32
      %lt3A_94 = arith.constant 50 : i32
      %lt3A_95 = arith.cmpi slt, %add3A_93, %lt3A_94 : i32
      %convert_element_type3A_96 = arith.extui %lt3A_95 : i1 to i32
      %cond3A_97 = arith.constant 0 : i32
      %cond3A_98 = arith.cmpi ne, %convert_element_type3A_96, %cond3A_97 : i32
      scf.if %cond3A_98 {
        %add3A_100 = arith.constant 1 : i32
        %add3A_101 = arith.addi %add3A_78, %add3A_100 : i32
        %mul3A_102 = arith.constant 200 : i32
        %mul3A_103 = arith.muli %add3A_101, %mul3A_102 : i32
        %add3A_104 = arith.addi %mul3A_2, %mul3A_103 : i32
        %dma_start3A_105 = arith.constant 0 : i32
        %dma_start3A_106 = arith.constant 0 : i32
        %dma_start3A_107 = arith.constant 0 : i32
        %dma_start3A_108 = tpu.memref_slice %arg6[%dma_start3A_105, %dma_start3A_106, %dma_start3A_107] : memref<2x200x64xf32, #tpu.memory_space<vmem>> -> memref<1x200x64xf32, #tpu.memory_space<vmem>>
        %dma_start3A_109 = tpu.memref_squeeze %dma_start3A_108 : memref<1x200x64xf32, #tpu.memory_space<vmem>> -> memref<200x64xf32, #tpu.memory_space<vmem>>
        %dma_start3A_110 = arith.constant 0 : i32
        %dma_start3A_111 = tpu.memref_slice %arg2[%add3A_104, %dma_start3A_110] : memref<320000x128xf32, #tpu.memory_space<hbm>> -> memref<200x64xf32, #tpu.memory_space<hbm>>
        %dma_start3A_112 = arith.constant 0 : i32
        %dma_start3A_113 = arith.constant 0 : i32
        %dma_start3A_114 = tpu.memref_slice %arg6[%dma_start3A_105, %dma_start3A_112, %dma_start3A_113] : memref<2x200x64xf32, #tpu.memory_space<vmem>> -> memref<1x200x64xf32, #tpu.memory_space<vmem>>
        %dma_start3A_115 = tpu.memref_squeeze %dma_start3A_114 : memref<1x200x64xf32, #tpu.memory_space<vmem>> -> memref<200x64xf32, #tpu.memory_space<vmem>>
        %dma_start3A_116 = arith.constant 0 : i32
        %dma_start3A_117 = tpu.memref_slice %arg2[%add3A_104, %dma_start3A_116] : memref<320000x128xf32, #tpu.memory_space<hbm>> -> memref<200x64xf32, #tpu.memory_space<hbm>>
        tpu.enqueue_dma source(%dma_start3A_117 : memref<200x64xf32, #tpu.memory_space<hbm>>) target(%dma_start3A_115 : memref<200x64xf32, #tpu.memory_space<vmem>>) target_semaphore(%arg8 : memref<!tpu.dma_semaphore, #tpu.memory_space<semaphore_mem>>)
      } else {
      }
      %run_scoped3A_99 = arith.constant 1 : i32
      "tpu.region"() ({
        %run_scoped3A_100 = tpu.sem_alloc : memref<!tpu.dma_semaphore, #tpu.memory_space<semaphore_mem>>
        %dma_start3A_101 = arith.constant 0 : i32
        %dma_start3A_102 = arith.constant 0 : i32
        %dma_start3A_103 = tpu.memref_slice %arg6[%run_scoped3A_99, %dma_start3A_101, %dma_start3A_102] : memref<2x200x64xf32, #tpu.memory_space<vmem>> -> memref<1x200x64xf32, #tpu.memory_space<vmem>>
        %dma_start3A_104 = tpu.memref_squeeze %dma_start3A_103 : memref<1x200x64xf32, #tpu.memory_space<vmem>> -> memref<200x64xf32, #tpu.memory_space<vmem>>
        %dma_start3A_105 = arith.constant 0 : i32
        %dma_start3A_106 = tpu.memref_slice %arg5[%add3A_78, %dma_start3A_105] : memref<50x200xi32, #tpu.memory_space<vmem>> -> memref<1x200xi32, #tpu.memory_space<vmem>>
        %dma_start3A_107 = tpu.memref_squeeze %dma_start3A_106 : memref<1x200xi32, #tpu.memory_space<vmem>> -> memref<200xi32, #tpu.memory_space<vmem>>
        %dma_start3A_108 = arith.constant 0 : i32
        %dma_start3A_109 = arith.constant 0 : i32
        %dma_start3A_110 = tpu.memref_slice %arg7[%dma_start3A_108, %dma_start3A_109] : memref<10240x64xf32, #tpu.memory_space<vmem_shared>> -> memref<10240x64xf32, #tpu.memory_space<vmem_shared>>
        tpu.enqueue_indirect_dma source(%dma_start3A_104 : memref<200x64xf32, #tpu.memory_space<vmem>>) target(%dma_start3A_110 : memref<10240x64xf32, #tpu.memory_space<vmem_shared>>) offsets(%dma_start3A_107 : memref<200xi32, #tpu.memory_space<vmem>>) semaphore(%run_scoped3A_100 : memref<!tpu.dma_semaphore, #tpu.memory_space<semaphore_mem>>) {add = true}
        %dma_wait3A_111 = arith.constant 0 : i32
        %dma_wait3A_112 = arith.constant 0 : i32
        %dma_wait3A_113 = tpu.memref_slice %arg6[%run_scoped3A_99, %dma_wait3A_111, %dma_wait3A_112] : memref<2x200x64xf32, #tpu.memory_space<vmem>> -> memref<1x200x64xf32, #tpu.memory_space<vmem>>
        %dma_wait3A_114 = tpu.memref_squeeze %dma_wait3A_113 : memref<1x200x64xf32, #tpu.memory_space<vmem>> -> memref<200x64xf32, #tpu.memory_space<vmem>>
        %dma_wait3A_115 = arith.constant 0 : i32
        %dma_wait3A_116 = tpu.memref_slice %arg5[%add3A_78, %dma_wait3A_115] : memref<50x200xi32, #tpu.memory_space<vmem>> -> memref<1x200xi32, #tpu.memory_space<vmem>>
        %dma_wait3A_117 = tpu.memref_squeeze %dma_wait3A_116 : memref<1x200xi32, #tpu.memory_space<vmem>> -> memref<200xi32, #tpu.memory_space<vmem>>
        %dma_wait3A_118 = arith.constant 0 : i32
        %dma_wait3A_119 = arith.constant 0 : i32
        %dma_wait3A_120 = tpu.memref_slice %arg7[%dma_wait3A_118, %dma_wait3A_119] : memref<10240x64xf32, #tpu.memory_space<vmem_shared>> -> memref<10240x64xf32, #tpu.memory_space<vmem_shared>>
        tpu.wait_indirect_dma semaphore(%run_scoped3A_100 : memref<!tpu.dma_semaphore, #tpu.memory_space<semaphore_mem>>) src(%dma_wait3A_114 : memref<200x64xf32, #tpu.memory_space<vmem>>) dst(%dma_wait3A_120 : memref<10240x64xf32, #tpu.memory_space<vmem_shared>>)
        tpu.yield
      }) : () -> ()
    }
    %scan3A_47 = arith.constant 25 : i32
    %barrier3A_48 = arith.constant 0 : index
    tpu.barrier barrier_id(%barrier3A_48)
    %mul3A_49 = arith.constant 640 : i32
    %mul3A_50 = arith.muli %arg1, %mul3A_49 : i32
    %mul3A_51 = arith.constant 640 : i32
    %mul3A_52 = arith.muli %arg1, %mul3A_51 : i32
    "tpu.region"() ({
      %run_scoped3A_53 = tpu.sem_alloc : memref<!tpu.dma_semaphore, #tpu.memory_space<semaphore_mem>>
      %dma_start3A_54 = arith.constant 0 : i32
      %dma_start3A_55 = tpu.memref_slice %arg4[%arg0, %mul3A_52, %dma_start3A_54] : memref<2x10240x64xf32, #tpu.memory_space<hbm>> -> memref<1x640x64xf32, #tpu.memory_space<hbm>>
      %dma_start3A_56 = tpu.memref_squeeze %dma_start3A_55 : memref<1x640x64xf32, #tpu.memory_space<hbm>> -> memref<640x64xf32, #tpu.memory_space<hbm>>
      %dma_start3A_57 = arith.constant 0 : i32
      %dma_start3A_58 = tpu.memref_slice %arg7[%mul3A_50, %dma_start3A_57] : memref<10240x64xf32, #tpu.memory_space<vmem_shared>> -> memref<640x64xf32, #tpu.memory_space<vmem_shared>>
      tpu.enqueue_dma source(%dma_start3A_58 : memref<640x64xf32, #tpu.memory_space<vmem_shared>>) target(%dma_start3A_56 : memref<640x64xf32, #tpu.memory_space<hbm>>) target_semaphore(%run_scoped3A_53 : memref<!tpu.dma_semaphore, #tpu.memory_space<semaphore_mem>>)
      %dma_wait3A = arith.constant 0 : i32
      %dma_wait3A_59 = tpu.memref_slice %arg4[%arg0, %mul3A_52, %dma_wait3A] : memref<2x10240x64xf32, #tpu.memory_space<hbm>> -> memref<1x640x64xf32, #tpu.memory_space<hbm>>
      %dma_wait3A_60 = tpu.memref_squeeze %dma_wait3A_59 : memref<1x640x64xf32, #tpu.memory_space<hbm>> -> memref<640x64xf32, #tpu.memory_space<hbm>>
      %dma_wait3A_61 = arith.constant 0 : i32
      %dma_wait3A_62 = tpu.memref_slice %arg7[%mul3A_50, %dma_wait3A_61] : memref<10240x64xf32, #tpu.memory_space<vmem_shared>> -> memref<640x64xf32, #tpu.memory_space<vmem_shared>>
      tpu.wait_dma2 semaphore(%run_scoped3A_53 : memref<!tpu.dma_semaphore, #tpu.memory_space<semaphore_mem>>) src(%dma_wait3A_62 : memref<640x64xf32, #tpu.memory_space<vmem_shared>>) dst(%dma_wait3A_60 : memref<640x64xf32, #tpu.memory_space<hbm>>)
      tpu.yield
    }) : () -> ()
    return
  }
}

module attributes {stable_mosaic.version = 14 : i64} {
  func.func @_edge_mlp_body(%arg0: i32, %arg1: memref<6400x128xf32, #tpu.memory_space<vmem>>, %arg2: memref<64x6400xf32, #tpu.memory_space<vmem>>, %arg3: memref<128x64xf32, #tpu.memory_space<vmem>>, %arg4: memref<64x64xf32, #tpu.memory_space<vmem>>, %arg5: memref<1x64xf32, #tpu.memory_space<vmem>>, %arg6: memref<64x128xf32, #tpu.memory_space<vmem>>, %arg7: memref<1x128xf32, #tpu.memory_space<vmem>>, %arg8: memref<6400x128xf32, #tpu.memory_space<vmem>>) attributes {dimension_semantics = [#tpu.dimension_semantics<arbitrary>], iteration_bounds = array<i64: 50>, scalar_prefetch = 0 : i64, scratch_operands = 0 : i64, tpu.core_type = #tpu.core_type<tc>, window_params = [{transform_indices = @transform_0, window_bounds = array<i64: 6400, 128>}, {transform_indices = @transform_1, window_bounds = array<i64: 64, 6400>}, {pipeline_mode = #tpu.pipeline_mode<synchronous>, transform_indices = @transform_2, window_bounds = array<i64: 128, 64>}, {pipeline_mode = #tpu.pipeline_mode<synchronous>, transform_indices = @transform_3, window_bounds = array<i64: 64, 64>}, {pipeline_mode = #tpu.pipeline_mode<synchronous>, transform_indices = @transform_4, window_bounds = array<i64: 1, 64>}, {pipeline_mode = #tpu.pipeline_mode<synchronous>, transform_indices = @transform_5, window_bounds = array<i64: 64, 128>}, {pipeline_mode = #tpu.pipeline_mode<synchronous>, transform_indices = @transform_6, window_bounds = array<i64: 1, 128>}, {transform_indices = @transform_7, window_bounds = array<i64: 6400, 128>}]} {
    %get3A = arith.constant 0 : index
    %get3A_0 = arith.constant 0 : index
    %get3A_1 = vector.load %arg1[%get3A, %get3A_0] : memref<6400x128xf32, #tpu.memory_space<vmem>>, vector<6400x128xf32>
    %get3A_2 = arith.constant 0 : index
    %get3A_3 = arith.constant 0 : index
    %get3A_4 = vector.load %arg2[%get3A_2, %get3A_3] : memref<64x6400xf32, #tpu.memory_space<vmem>>, vector<64x6400xf32>
    %get3A_5 = arith.constant 0 : index
    %get3A_6 = arith.constant 0 : index
    %get3A_7 = vector.load %arg4[%get3A_5, %get3A_6] : memref<64x64xf32, #tpu.memory_space<vmem>>, vector<64x64xf32>
    %dot_general3A = arith.constant dense<0.000000e+00> : vector<6400x64xf32>
    %dot_general3A_8 = tpu.matmul %get3A_4, %get3A_7, %dot_general3A {dimension_numbers = #tpu.dot_dimension_numbers<[0], [0], [1], [1], [0, 1, 1, 1], [], []>, transpose_lhs_hint = false} : vector<64x6400xf32>, vector<64x64xf32>, vector<6400x64xf32> -> vector<6400x64xf32>
    %get3A_9 = arith.constant 0 : index
    %get3A_10 = arith.constant 0 : index
    %get3A_11 = vector.load %arg3[%get3A_9, %get3A_10] : memref<128x64xf32, #tpu.memory_space<vmem>>, vector<128x64xf32>
    %dot_general3A_12 = arith.constant dense<0.000000e+00> : vector<6400x64xf32>
    %dot_general3A_13 = tpu.matmul %get3A_1, %get3A_11, %dot_general3A_12 {dimension_numbers = #tpu.dot_dimension_numbers<[1], [0], [0], [1], [0, 0, 1, 1], [], []>, transpose_lhs_hint = false} : vector<6400x128xf32>, vector<128x64xf32>, vector<6400x64xf32> -> vector<6400x64xf32>
    %add3A = arith.addf %dot_general3A_13, %dot_general3A_8 : vector<6400x64xf32>
    %get3A_14 = arith.constant 0 : index
    %get3A_15 = arith.constant 0 : index
    %get3A_16 = vector.load %arg5[%get3A_14, %get3A_15] : memref<1x64xf32, #tpu.memory_space<vmem>>, vector<1x64xf32>
    %add3A_17 = vector.broadcast %get3A_16 : vector<1x64xf32> to vector<6400x64xf32>
    %add3A_18 = arith.addf %add3A, %add3A_17 : vector<6400x64xf32>
    %max3A = arith.constant 0.000000e+00 : f32
    %max3A_19 = vector.broadcast %max3A : f32 to vector<6400x64xf32>
    %max3A_20 = arith.maximumf %add3A_18, %max3A_19 : vector<6400x64xf32>
    %get3A_21 = arith.constant 0 : index
    %get3A_22 = arith.constant 0 : index
    %get3A_23 = vector.load %arg6[%get3A_21, %get3A_22] : memref<64x128xf32, #tpu.memory_space<vmem>>, vector<64x128xf32>
    %dot_general3A_24 = arith.constant dense<0.000000e+00> : vector<6400x128xf32>
    %dot_general3A_25 = tpu.matmul %max3A_20, %get3A_23, %dot_general3A_24 {dimension_numbers = #tpu.dot_dimension_numbers<[1], [0], [0], [1], [0, 0, 1, 1], [], []>, transpose_lhs_hint = false} : vector<6400x64xf32>, vector<64x128xf32>, vector<6400x128xf32> -> vector<6400x128xf32>
    %get3A_26 = arith.constant 0 : index
    %get3A_27 = arith.constant 0 : index
    %get3A_28 = vector.load %arg7[%get3A_26, %get3A_27] : memref<1x128xf32, #tpu.memory_space<vmem>>, vector<1x128xf32>
    %add3A_29 = vector.broadcast %get3A_28 : vector<1x128xf32> to vector<6400x128xf32>
    %add3A_30 = arith.addf %dot_general3A_25, %add3A_29 : vector<6400x128xf32>
    %max3A_31 = arith.constant 0.000000e+00 : f32
    %max3A_32 = vector.broadcast %max3A_31 : f32 to vector<6400x128xf32>
    %max3A_33 = arith.maximumf %add3A_30, %max3A_32 : vector<6400x128xf32>
    %swap3A = arith.constant 0 : index
    %swap3A_34 = arith.constant 0 : index
    %swap3A_35 = vector.load %arg8[%swap3A, %swap3A_34] : memref<6400x128xf32, #tpu.memory_space<vmem>>, vector<6400x128xf32>
    tpu.vector_store %arg8[%swap3A, %swap3A_34], %max3A_33 {strides = array<i32>} : memref<6400x128xf32, #tpu.memory_space<vmem>>, vector<6400x128xf32>,
    return
  }
  func.func @transform_0(%arg0: i32) -> (i32, i32) {
    %c0_i32 = arith.constant 0 : i32
    %c0_i32_0 = arith.constant 0 : i32
    return %arg0, %c0_i32 : i32, i32
  }
  func.func @transform_1(%arg0: i32) -> (i32, i32) {
    %c0_i32 = arith.constant 0 : i32
    %c0_i32_0 = arith.constant 0 : i32
    return %c0_i32, %arg0 : i32, i32
  }
  func.func @transform_2(%arg0: i32) -> (i32, i32) {
    %c0_i32 = arith.constant 0 : i32
    %c0_i32_0 = arith.constant 0 : i32
    %c0_i32_1 = arith.constant 0 : i32
    return %c0_i32, %c0_i32_0 : i32, i32
  }
  func.func @transform_3(%arg0: i32) -> (i32, i32) {
    %c0_i32 = arith.constant 0 : i32
    %c0_i32_0 = arith.constant 0 : i32
    %c0_i32_1 = arith.constant 0 : i32
    return %c0_i32, %c0_i32_0 : i32, i32
  }
  func.func @transform_4(%arg0: i32) -> (i32, i32) {
    %c0_i32 = arith.constant 0 : i32
    %c0_i32_0 = arith.constant 0 : i32
    %c0_i32_1 = arith.constant 0 : i32
    return %c0_i32, %c0_i32_0 : i32, i32
  }
  func.func @transform_5(%arg0: i32) -> (i32, i32) {
    %c0_i32 = arith.constant 0 : i32
    %c0_i32_0 = arith.constant 0 : i32
    %c0_i32_1 = arith.constant 0 : i32
    return %c0_i32, %c0_i32_0 : i32, i32
  }
  func.func @transform_6(%arg0: i32) -> (i32, i32) {
    %c0_i32 = arith.constant 0 : i32
    %c0_i32_0 = arith.constant 0 : i32
    %c0_i32_1 = arith.constant 0 : i32
    return %c0_i32, %c0_i32_0 : i32, i32
  }
  func.func @transform_7(%arg0: i32) -> (i32, i32) {
    %c0_i32 = arith.constant 0 : i32
    %c0_i32_0 = arith.constant 0 : i32
    return %arg0, %c0_i32 : i32, i32
  }
}

module attributes {stable_mosaic.version = 14 : i64} {
  func.func @_node_mlp_body(%arg0: i32, %arg1: memref<2000x128xf32, #tpu.memory_space<vmem>>, %arg2: memref<2x2000x64xf32, #tpu.memory_space<vmem>>, %arg3: memref<128x64xf32, #tpu.memory_space<vmem>>, %arg4: memref<64x64xf32, #tpu.memory_space<vmem>>, %arg5: memref<1x64xf32, #tpu.memory_space<vmem>>, %arg6: memref<64x64xf32, #tpu.memory_space<vmem>>, %arg7: memref<1x64xf32, #tpu.memory_space<vmem>>, %arg8: memref<2000x64xf32, #tpu.memory_space<vmem>>) attributes {dimension_semantics = [#tpu.dimension_semantics<arbitrary>], iteration_bounds = array<i64: 5>, scalar_prefetch = 0 : i64, scratch_operands = 0 : i64, tpu.core_type = #tpu.core_type<tc>, window_params = [{transform_indices = @transform_0, window_bounds = array<i64: 2000, 128>}, {transform_indices = @transform_1, window_bounds = array<i64: 2, 2000, 64>}, {pipeline_mode = #tpu.pipeline_mode<synchronous>, transform_indices = @transform_2, window_bounds = array<i64: 128, 64>}, {pipeline_mode = #tpu.pipeline_mode<synchronous>, transform_indices = @transform_3, window_bounds = array<i64: 64, 64>}, {pipeline_mode = #tpu.pipeline_mode<synchronous>, transform_indices = @transform_4, window_bounds = array<i64: 1, 64>}, {pipeline_mode = #tpu.pipeline_mode<synchronous>, transform_indices = @transform_5, window_bounds = array<i64: 64, 64>}, {pipeline_mode = #tpu.pipeline_mode<synchronous>, transform_indices = @transform_6, window_bounds = array<i64: 1, 64>}, {transform_indices = @transform_7, window_bounds = array<i64: 2000, 64>}]} {
    %get3A = arith.constant 0 : index
    %get3A_0 = arith.constant 0 : index
    %get3A_1 = arith.constant 0 : index
    %get3A_2 = vector.load %arg2[%get3A, %get3A_0, %get3A_1] : memref<2x2000x64xf32, #tpu.memory_space<vmem>>, vector<1x2000x64xf32>
    %get3A_3 = vector.shape_cast %get3A_2 : vector<1x2000x64xf32> to vector<2000x64xf32>
    %get3A_4 = arith.constant 1 : index
    %get3A_5 = arith.constant 0 : index
    %get3A_6 = arith.constant 0 : index
    %get3A_7 = vector.load %arg2[%get3A_4, %get3A_5, %get3A_6] : memref<2x2000x64xf32, #tpu.memory_space<vmem>>, vector<1x2000x64xf32>
    %get3A_8 = vector.shape_cast %get3A_7 : vector<1x2000x64xf32> to vector<2000x64xf32>
    %add3A = arith.addf %get3A_3, %get3A_8 : vector<2000x64xf32>
    %get3A_9 = arith.constant 0 : index
    %get3A_10 = arith.constant 0 : index
    %get3A_11 = vector.load %arg1[%get3A_9, %get3A_10] : memref<2000x128xf32, #tpu.memory_space<vmem>>, vector<2000x128xf32>
    %get3A_12 = arith.constant 0 : index
    %get3A_13 = arith.constant 0 : index
    %get3A_14 = vector.load %arg3[%get3A_12, %get3A_13] : memref<128x64xf32, #tpu.memory_space<vmem>>, vector<128x64xf32>
    %dot_general3A = arith.constant dense<0.000000e+00> : vector<2000x64xf32>
    %dot_general3A_15 = tpu.matmul %get3A_11, %get3A_14, %dot_general3A {dimension_numbers = #tpu.dot_dimension_numbers<[1], [0], [0], [1], [0, 0, 1, 1], [], []>, transpose_lhs_hint = false} : vector<2000x128xf32>, vector<128x64xf32>, vector<2000x64xf32> -> vector<2000x64xf32>
    %get3A_16 = arith.constant 0 : index
    %get3A_17 = arith.constant 0 : index
    %get3A_18 = vector.load %arg4[%get3A_16, %get3A_17] : memref<64x64xf32, #tpu.memory_space<vmem>>, vector<64x64xf32>
    %dot_general3A_19 = arith.constant dense<0.000000e+00> : vector<2000x64xf32>
    %dot_general3A_20 = tpu.matmul %add3A, %get3A_18, %dot_general3A_19 {dimension_numbers = #tpu.dot_dimension_numbers<[1], [0], [0], [1], [0, 0, 1, 1], [], []>, transpose_lhs_hint = false} : vector<2000x64xf32>, vector<64x64xf32>, vector<2000x64xf32> -> vector<2000x64xf32>
    %add3A_21 = arith.addf %dot_general3A_15, %dot_general3A_20 : vector<2000x64xf32>
    %get3A_22 = arith.constant 0 : index
    %get3A_23 = arith.constant 0 : index
    %get3A_24 = vector.load %arg5[%get3A_22, %get3A_23] : memref<1x64xf32, #tpu.memory_space<vmem>>, vector<1x64xf32>
    %add3A_25 = vector.broadcast %get3A_24 : vector<1x64xf32> to vector<2000x64xf32>
    %add3A_26 = arith.addf %add3A_21, %add3A_25 : vector<2000x64xf32>
    %max3A = arith.constant 0.000000e+00 : f32
    %max3A_27 = vector.broadcast %max3A : f32 to vector<2000x64xf32>
    %max3A_28 = arith.maximumf %add3A_26, %max3A_27 : vector<2000x64xf32>
    %get3A_29 = arith.constant 0 : index
    %get3A_30 = arith.constant 0 : index
    %get3A_31 = vector.load %arg6[%get3A_29, %get3A_30] : memref<64x64xf32, #tpu.memory_space<vmem>>, vector<64x64xf32>
    %dot_general3A_32 = arith.constant dense<0.000000e+00> : vector<2000x64xf32>
    %dot_general3A_33 = tpu.matmul %max3A_28, %get3A_31, %dot_general3A_32 {dimension_numbers = #tpu.dot_dimension_numbers<[1], [0], [0], [1], [0, 0, 1, 1], [], []>, transpose_lhs_hint = false} : vector<2000x64xf32>, vector<64x64xf32>, vector<2000x64xf32> -> vector<2000x64xf32>
    %get3A_34 = arith.constant 0 : index
    %get3A_35 = arith.constant 0 : index
    %get3A_36 = vector.load %arg7[%get3A_34, %get3A_35] : memref<1x64xf32, #tpu.memory_space<vmem>>, vector<1x64xf32>
    %add3A_37 = vector.broadcast %get3A_36 : vector<1x64xf32> to vector<2000x64xf32>
    %add3A_38 = arith.addf %dot_general3A_33, %add3A_37 : vector<2000x64xf32>
    %max3A_39 = arith.constant 0.000000e+00 : f32
    %max3A_40 = vector.broadcast %max3A_39 : f32 to vector<2000x64xf32>
    %max3A_41 = arith.maximumf %add3A_38, %max3A_40 : vector<2000x64xf32>
    %swap3A = arith.constant 0 : index
    %swap3A_42 = arith.constant 0 : index
    %swap3A_43 = vector.load %arg8[%swap3A, %swap3A_42] : memref<2000x64xf32, #tpu.memory_space<vmem>>, vector<2000x64xf32>
    tpu.vector_store %arg8[%swap3A, %swap3A_42], %max3A_41 {strides = array<i32>} : memref<2000x64xf32, #tpu.memory_space<vmem>>, vector<2000x64xf32>,
    return
  }
  func.func @transform_0(%arg0: i32) -> (i32, i32) {
    %c0_i32 = arith.constant 0 : i32
    %c0_i32_0 = arith.constant 0 : i32
    return %arg0, %c0_i32 : i32, i32
  }
  func.func @transform_1(%arg0: i32) -> (i32, i32, i32) {
    %c0_i32 = arith.constant 0 : i32
    %c0_i32_0 = arith.constant 0 : i32
    %c0_i32_1 = arith.constant 0 : i32
    return %c0_i32, %arg0, %c0_i32_0 : i32, i32, i32
  }
  func.func @transform_2(%arg0: i32) -> (i32, i32) {
    %c0_i32 = arith.constant 0 : i32
    %c0_i32_0 = arith.constant 0 : i32
    %c0_i32_1 = arith.constant 0 : i32
    return %c0_i32, %c0_i32_0 : i32, i32
  }
  func.func @transform_3(%arg0: i32) -> (i32, i32) {
    %c0_i32 = arith.constant 0 : i32
    %c0_i32_0 = arith.constant 0 : i32
    %c0_i32_1 = arith.constant 0 : i32
    return %c0_i32, %c0_i32_0 : i32, i32
  }
  func.func @transform_4(%arg0: i32) -> (i32, i32) {
    %c0_i32 = arith.constant 0 : i32
    %c0_i32_0 = arith.constant 0 : i32
    %c0_i32_1 = arith.constant 0 : i32
    return %c0_i32, %c0_i32_0 : i32, i32
  }
  func.func @transform_5(%arg0: i32) -> (i32, i32) {
    %c0_i32 = arith.constant 0 : i32
    %c0_i32_0 = arith.constant 0 : i32
    %c0_i32_1 = arith.constant 0 : i32
    return %c0_i32, %c0_i32_0 : i32, i32
  }
  func.func @transform_6(%arg0: i32) -> (i32, i32) {
    %c0_i32 = arith.constant 0 : i32
    %c0_i32_0 = arith.constant 0 : i32
    %c0_i32_1 = arith.constant 0 : i32
    return %c0_i32, %c0_i32_0 : i32, i32
  }
  func.func @transform_7(%arg0: i32) -> (i32, i32) {
    %c0_i32 = arith.constant 0 : i32
    %c0_i32_0 = arith.constant 0 : i32
    return %arg0, %c0_i32 : i32, i32
  }
}

</mosaic_0001>

<sc_bundles>
// kernel: kernel.6.cloned.1.call-start
scs
__scs_entry_jumppad:
0x0: {  	(pc) =	sbr.rel $0x88, $3  }
0x1: {  	(tag) =	ssettag $0x0;
	lr =	simm.s32 $0x1  }
0x2: {  	[smem:$0x3F96] =	sst lr;
	_ =	strace $0xD0000000  }
0x3: {  	_ = 	snop  }
0x4: {  	_ = 	snop  }
0x5: {  	_ = 	snop  }
0x6: {  	_ = 	snop  }
0x7: {  	_ = 	snop  }
__scs_overlays_trampoline_lowered:
0x8: {  	[smem:$0x3FA5] =	sst s0  }
0x9: {  	[smem:$0x3FA6] =	sst s1  }
0xa: {  	[smem:$0x3FA7] =	sst s2  }
0xb: {  	[smem:$0x3FA8] =	sst s3  }
0xc: {  	[smem:$0x3FA9] =	sst s4  }
0xd: {  	[smem:$0x3FAA] =	sst s5  }
0xe: {  	[smem:$0x3FAB] =	sst s6  }
0xf: {  	[smem:$0x3FAC] =	sst s7  }
0x10: {  	[smem:$0x3FAD] =	sst s8  }
0x11: {  	[smem:$0x3FAE] =	sst s9;
	s0 =	simm.s32 @!p0 $0x0  }
0x12: {  	s1 =	sld [smem:$0x3F94];
	s0 =	simm.s32 @p0 $0x1  }
0x13: {  	[smem:$0x3FAF] =	sst s0;
	s0 =	simm.s32 @!p1 $0x0  }
0x14: {  	s2 =	sld [smem:$0x3F93];
	s0 =	simm.s32 @p1 $0x1  }
0x15: {  	[smem:$0x3FB0] =	sst s0;
	s0 =	simm.s32 @!p2 $0x0  }
0x16: {  	s3 =	sld [smem:$0x3FDB];
	s0 =	simm.s32 @p2 $0x1  }
0x17: {  	s4 =	simm.s32 $0x1BF5;
	[smem:$0x3FB2] =	sst s0  }
0x18: {  	s0 =	sld [smem:$0x3F95];
	_ =	swait.ge [sflag:s4], $0x0  }
0x19: {  	s7 =	sld [smem:$0x3F96]  }
0x1a: {  	s8 =	sadd.s32 $0xFFFFE003, lr  }
0x1b: {  	s9 =	sadd.s32 $0xFFFFFEF7, lr;
	s5 =	simm.s32 $0xFFFFFFFF;
	p2 =	slt.u32 s8, $0xFFFFF086  }
0x1c: {  	p1 =	slt.u32 s9, $0xF7A;
	s5 =	simm.s32 @!p2 $0x0  }
0x1d: {  	s5 =	simm.s32 @p1 $0x1;
	p0 =	seq.s32 s7, s2  }
0x1e: {  	s7 =	smul.u32 @!p0 $0xF7A, s2;
	p2 =	seq.s32 @!p0 s5, $0x0  }
0x1f: {  	s9 =	smul.u32 $0xF7A, s1;
	s8 =	simm.s32 @!p0 $0x1BF5;
	p2 =	por !p2, p0  }
0x20: {  	[sflag:s8] =	ssyncset.s32 @!p0 $0xFFFFF086;
	s6 =	sadd.s32 @!p0 s3, s7;
	s7 =	simm.s32 @!p0 $0x108  }
0x21: {  	s3 =	sadd.s32 s3, s9;
	s6 =	sadd.s32 @!p0 $0x88, s6;
	s7 =	simm.s32 @p2 $0x1082  }
0x22: {  	[simem:s7], [sflag:s8] =	dma.local @!p0 [hbm:s6], $0xF7A  }
0x23: {  	s9 =	sor.u32 $0xD0000000, s2;
	s6 =	simm.s32 $0x108;
	_ =	swait.ge @!p0 [sflag:s8], $0x0  }
0x24: {  	s3 =	sadd.s32 $0x88, s3;
	s6 =	simm.s32 @!p1 $0x1082;
	[sflag:s4] =	ssyncset.s32 $0xFFFFF086  }
0x25: {  	[simem:s6], [sflag:s4] =	dma.local [hbm:s3], $0xF7A  }
0x26: {  	[smem:$0x3F96] =	sst s1;
	(tag) =	ssettag s2;
	_ =	strace s9  }
0x27: {  	s1 =	sld [smem:$0x3FA6]  }
0x28: {  	s2 =	sld [smem:$0x3FA7]  }
0x29: {  	s4 =	sld [smem:$0x3FA9]  }
0x2a: {  	p0 =	seq.s32 s5, $0x0;
	s5 =	sld [smem:$0x3FAA]  }
0x2b: {  	s6 =	sld [smem:$0x3FAB]  }
0x2c: {  	s7 =	sld [smem:$0x3FAC]  }
0x2d: {  	s3 =	simm.s32 $0x108;
	s8 =	sld [smem:$0x3FAD]  }
0x2e: {  	s3 =	simm.s32 @!p0 $0x1082;
	s9 =	sld [smem:$0x3FAE]  }
0x2f: {  	lr =	sadd.s32 s0, s3;
	s0 =	sld [smem:$0x3FA5]  }
0x30: {  	s3 =	sld [smem:$0x3FA8]  }
0x31: {  	[smem:$0x3FB1] =	sst s10  }
0x32: {  	s10 =	sld [smem:$0x3FAF];
	_ =	sdelay $0x3  }
0x33: {  	p0 =	seq.s32 s10, $0x1;
	s10 =	sld [smem:$0x3FB1];
	_ =	sdelay $0x3  }
0x34: {  	[smem:$0x3FB1] =	sst s10  }
0x35: {  	s10 =	sld [smem:$0x3FB0];
	_ =	sdelay $0x3  }
0x36: {  	p1 =	seq.s32 s10, $0x1;
	s10 =	sld [smem:$0x3FB1];
	_ =	sdelay $0x3  }
0x37: {  	[smem:$0x3FB1] =	sst s10  }
0x38: {  	s10 =	sld [smem:$0x3FB2]  }
0x39: {  	_ = 	snop;
	(pc) =	sbr.ind lr, $3  }
0x3a: {  	_ = 	snop  }
0x3b: {  	_ = 	snop  }
0x3c: {  	p2 =	seq.s32 s10, $0x1;
	s10 =	sld [smem:$0x3FB1]  }
0x3d: {  	_ =	shalt  }
0x3e: {  	_ =	shalt  }
0x3f: {  	_ =	shalt  }
0x40: {  	_ =	shalt  }
0x41: {  	_ =	shalt  }
0x42: {  	_ =	shalt  }
0x43: {  	_ =	shalt  }
0x44: {  	_ =	shalt  }
0x45: {  	_ =	shalt  }
0x46: {  	_ =	shalt  }
0x47: {  	_ =	shalt  }
0x48: {  	_ =	shalt  }
0x49: {  	_ =	shalt  }
0x4a: {  	_ =	shalt  }
0x4b: {  	_ =	shalt  }
0x4c: {  	_ =	shalt  }
0x4d: {  	_ =	shalt  }
0x4e: {  	_ =	shalt  }
0x4f: {  	_ =	shalt  }
0x50: {  	_ =	shalt  }
0x51: {  	_ =	shalt  }
0x52: {  	_ =	shalt  }
0x53: {  	_ =	shalt  }
0x54: {  	_ =	shalt  }
0x55: {  	_ =	shalt  }
0x56: {  	_ =	shalt  }
0x57: {  	_ =	shalt  }
0x58: {  	_ =	shalt  }
0x59: {  	_ =	shalt  }
0x5a: {  	_ =	shalt  }
0x5b: {  	_ =	shalt  }
0x5c: {  	_ =	shalt  }
0x5d: {  	_ =	shalt  }
0x5e: {  	_ =	shalt  }
0x5f: {  	_ =	shalt  }
0x60: {  	_ =	shalt  }
0x61: {  	_ =	shalt  }
0x62: {  	_ =	shalt  }
0x63: {  	_ =	shalt  }
0x64: {  	_ =	shalt  }
0x65: {  	_ =	shalt  }
0x66: {  	_ =	shalt  }
0x67: {  	_ =	shalt  }
0x68: {  	_ =	shalt  }
0x69: {  	_ =	shalt  }
0x6a: {  	_ =	shalt  }
0x6b: {  	_ =	shalt  }
0x6c: {  	_ =	shalt  }
0x6d: {  	_ =	shalt  }
0x6e: {  	_ =	shalt  }
0x6f: {  	_ =	shalt  }
0x70: {  	_ =	shalt  }
0x71: {  	_ =	shalt  }
0x72: {  	_ =	shalt  }
0x73: {  	_ =	shalt  }
0x74: {  	_ =	shalt  }
0x75: {  	_ =	shalt  }
0x76: {  	_ =	shalt  }
0x77: {  	_ =	shalt  }
0x78: {  	_ =	shalt  }
0x79: {  	_ =	shalt  }
0x7a: {  	_ =	shalt  }
0x7b: {  	_ =	shalt  }
0x7c: {  	_ =	shalt  }
0x7d: {  	_ =	shalt  }
0x7e: {  	_ =	shalt  }
0x7f: {  	_ =	shalt  }
0x80: {  	_ =	shalt  }
0x81: {  	_ =	shalt  }
0x82: {  	_ =	shalt  }
0x83: {  	_ =	shalt  }
0x84: {  	_ =	shalt  }
0x85: {  	_ =	shalt  }
0x86: {  	_ =	shalt  }
0x87: {  	_ =	shalt  }
.Lfunc_end0:
.L_simem_size_0:
called_computation_lowered:
.L_overlay_start_0:
0x88: {  	s2 =	sld [smem:$0x3FD9]  }
0x89: {  	s3 =	sld [smem:$0x3FFE];
	_ =	sdelay $0x1  }
0x8a: {  	s1 =	srdreg.scid  }
0x8b: {  	s0 =	sand.u32 $0x1, s1  }
0x8c: {  	s17 =	sshll.u32 s0, $0xA;
	s2 =	sadd.s32 s3, s2  }
0x8d: {  	s2 =	sadd.s32 s2, s17  }
0x8e: {  	[smem:$0x3FBD] =	sst s2  }
0x8f: {  	_ = 	snop  }
0x90: {  	s2 =	sld [smem:$0x3FC9];
	(tm) =	ssettm $0x1  }
0x91: {  	s18 =	sld [smem:$0x3FFB];
	_ =	sdelay $0x3  }
0x92: {  	_ =	strace s18  }
0x93: {  	s3 =	sld [smem:$0x3FFC];
	_ =	sdelay $0x3  }
0x94: {  	_ =	strace s3  }
0x95: {  	s3 =	sld [smem:$0x3FFD];
	_ =	sdelay $0x3  }
0x96: {  	_ =	strace s3  }
0x97: {  	_ =	strace $0x8FFFFFFF  }
0x98: {  	s19 =	sld [smem:$0x3FDB];
	_ =	sdelay $0x1  }
0x99: {  	s4 =	simm.s32 $_scs_section_size  }
0x9a: {  	s5 =	simm.s32 $_size__tile_overlayer_lowered;
	s6 =	simm.s32 $_tile_overlayer_lowered  }
0x9b: {  	s22 =	simm.s32 $0x1BFF;
	s21 =	sshll.u32 s6, $0x1;
	s3 =	sadd.s32 s4, s19  }
0x9c: {  	s7 =	simm.s32 $0x0;
	s20 =	sshll.u32 s5, $0x1;
	s5 =	sadd.s32 s21, s3  }
0x9d: {  	[timem:s7], [sflag:s22] =	dma.local [hbm:s5], s20  }
0x9e: {  	_ =	swait.ge [sflag:s22], s20  }
0x9f: {  	s4 =	ssub.s32 $0x0, s20;
	[sflag:s22] =	ssyncset.done $0x0  }
0xa0: {  	[sflag:s22] =	ssyncadd.s32 s4;
	_ =	sdelay $0x1  }
0xa1: {  	s23 =	simm.s32 $0x1B8B  }
0xa2: {  	_ =	swait.ge [sflag:s23], $0x1  }
0xa3: {  	[sflag:s23] =	ssyncset.done $0x0  }
0xa4: {  	s25 =	simm.s32 $0x1B8E;
	s24 =	sld [smem:$0x3FFE];
	[sflag:s23] =	ssyncadd.s32 $0xFFFFFFFF  }
0xa5: {  	s26 =	simm.s32 $execute0_lowered;
	[smem:$0x3FD2] =	sst s25  }
0xa6: {  	s5 =	sshll.u32 s26, $0x1;
	_ =	strace $0x80000046;
	[dreg:$0x1] =	wrdreg $0xFFFFFFFF  }
0xa7: {  	s28 =	simm.s32 $_size_execute0_lowered;
	s3 =	sadd.s32 s3, s5;
	[dreg:$0x0] =	wrdreg $0x0  }
0xa8: {  	s5 =	sshll.u32 s28, $0x1;
	[dreg:$0x2] =	wrdreg s3  }
0xa9: {  	[dreg:$0x3] =	wrdreg s5  }
0xaa: {  	[dreg:$0x4] =	wrdreg $0xC0  }
0xab: {  	_ =	task [dreg:s7], $0x5FFFF  }
0xac: {  	[dreg:$0x1] =	wrdreg $0xFFFFFFFF  }
0xad: {  	[dreg:$0x0] =	wrdreg $0x60  }
0xae: {  	[dreg:$0x2] =	wrdreg s2  }
0xaf: {  	[dreg:$0x3] =	wrdreg s24  }
0xb0: {  	[dreg:$0x4] =	wrdreg $0x9  }
0xb1: {  	_ =	task.clear_ibuf [dreg:s7], $0x5FFFF;
	_ =	strace $0x90000046  }
0xb2: {  	s29 =	simm.s32 $0x9;
	_ =	strace $0x80000048  }
0xb3: {  	_ =	swait.ge [sflag:s29], $0x1  }
0xb4: {  	[sflag:s29] =	ssyncadd.s32 $0xFFFFFFFF  }
0xb5: {  	_ =	strace $0x90000048  }
0xb6: {  	_ =	sfence  }
0xb7: {  	s30 =	sld [smem:$0x0];
	_ =	sdelay $0x2  }
0xb8: {  	s31 =	sshll.u32 s1, $0xD;
	s1 =	sshrl.u32 s1, $0x2  }
0xb9: {  	s3 =	sand.u32 $0x4000, s31;
	s1 =	sadd.s32 s1, s30  }
0xba: {  	s0 =	sor.u32 s3, s0;
	s1 =	sshll.u32 s1, $0x11  }
0xbb: {  	s0 =	sor.u32 s1, s0  }
0xbc: {  	s0 =	sadd.s32 $0x8F2B, s0  }
0xbd: {  	[sflag:s0] =	ssyncadd.remote.s32 $0x1  }
0xbe: {  	_ =	sfence.sel $0xFFFF  }
0xbf: {  	[dreg:$0x0] =	wrdreg $0xFFFFFFFF;
	(pc) =	sbr.abs _section_cstart, $3  }
0xc0: {  	[dreg:$0x1] =	wrdreg $0xFFFFFFFF  }
0xc1: {  	_ =	task.clear_ibuf [dreg:s7], $0x2FFFF;
	_ =	strace $0x9FFFFFFF  }
0xc2: {  	(tm) =	ssettm $0x7FFFFFFF  }
0xc3: {  	_ =	shalt  }
tec
execute0_lowered:
.L_overlay_start_1:
0x0: {  	(tag) =	ssettag $0x1  }
0x1: {  	s0 =	srdreg.scid;
	s2 =	rddreg [dreg:$0x0]  }
0x2: {  	s5 =	rddreg [dreg:$0x1];
	s3 =	simm.s32 $0x0;
	s12 =	simm.s32 $0x1  }
0x3: {  	s13 =	simm.s32 $0x8B80;
	s14 =	simm.s32 $0x2;
	s15 =	simm.s32 $0x3  }
0x4: {  	s16 =	simm.s32 $0x0;
	s4 =	sand.u32 $0x1, s0;
	s0 =	stileid.u32  }
0x5: {  	[smem:$0x7FF] =	sst s3;
	s1 =	sshll.u32 s4, $0x4;
	s30 =	smul.u32 $0x271000, s4  }
0x6: {  	s10 =	sadd.s32 $0xC200, s5;
	s11 =	smul.u32 $0x27100, s0;
	s6 =	sor.u32 s0, s1  }
0x7: {  	s8 =	ssub.s32 $0x2, s4;
	s1 =	rddreg [dreg:$0x2];
	s7 =	smul.u32 $0x2710, s6  }
0x8: {  	_ =	strace $0x80000047;
	s9 =	sshrl.u32 s8, $0x1;
	s6 =	smul.u32 $0x27100, s6  }
0x9: {  	s8 =	ssub.s32 s8, s9;
	s31 =	sadd.s32 s30, s10;
	s7 =	sshrl.u32 s7, $0x3  }
0xa: {  	s9 =	simm.s32 $0x4;
	s7 =	sadd.s32 s7, s5;
	s5 =	sadd.s32 s10, s6  }
0xb: {  	s6 =	smax.u32 s8, $0x1;
	s8 =	sadd.s32 s11, s31;
	s10 =	simm.s32 $0xC8  }
0xc: {  	s11 =	simm.s32 $0x2780;
	s4 =	sadd.s32 $0x2400, s7;
	s7 =	sadd.s32 $0xC80, s5  }
.LBB2_1:
0xd: {  	[tilespmem:s3], [sflag:$0x4] =	stream.linear.gather [hbm4b:s4+s3], $0x2710, $0x38;
	[tilespmem:$0xEF80] =	vst v63  }
0xe: {  	_ =	swait.ge [sflag:s9], $0x2710  }
0xf: {  	[sflag:s9] =	ssyncset.done $0x0  }
0x10: {  	[sflag:s9] =	ssyncadd.s32 $0xFFFFD8F0  }
0x11: {  	[tilespmem:s11], [sflag:$0x1] =	stream.indirect.gather [hbm4b:s2+s10], $0x80, s3, s10, $0xb8;
	[tilespmem:$0xEF80] =	vst v63  }
0x12: {  	_ =	swait.ge [sflag:s12], $0x6400  }
0x13: {  	[sflag:s12] =	ssyncset.done $0x0  }
0x14: {  	[sflag:s12] =	ssyncadd.s32 $0xFFFF9C00  }
0x15: {  	[hbm4b:s5+s3] =	stream.linear.scatter [tilespmem:s11], [sflag:$0x2], $0x6400, $0x38;
	[tilespmem:$0xEF80] =	vst v63  }
0x16: {  	_ = 	snop  }
0x17: {  	[tilespmem:s13], [sflag:$0x1] =	stream.indirect.gather [hbm4b:s2+s10], $0x80, s10, s10, $0xb8;
	[tilespmem:$0xEF80] =	vst v63  }
0x18: {  	_ =	swait.ge [sflag:s12], $0x6400  }
0x19: {  	[sflag:s12] =	ssyncset.done $0x0  }
0x1a: {  	[sflag:s12] =	ssyncadd.s32 $0xFFFF9C00  }
0x1b: {  	[hbm4b:s7+s3] =	stream.linear.scatter [tilespmem:s13], [sflag:$0x3], $0x6400, $0x38;
	[tilespmem:$0xEF80] =	vst v63  }
0x1c: {  	_ =	swait.ge [sflag:s14], $0x6400  }
0x1d: {  	[sflag:s14] =	ssyncset.done $0x0  }
0x1e: {  	s17 =	simm.s32 $0x190;
	[sflag:s14] =	ssyncadd.s32 $0xFFFF9C00  }
0x1f: {  	[tilespmem:s11], [sflag:$0x1] =	stream.indirect.gather [hbm4b:s2+s10], $0x80, s17, s10, $0xb8;
	[tilespmem:$0xEF80] =	vst v63  }
0x20: {  	_ =	swait.ge [sflag:s12], $0x6400  }
0x21: {  	s18 =	sadd.s32 $0x0, s8;
	[sflag:s12] =	ssyncset.done $0x0  }
0x22: {  	s30 =	sadd.s32 $0x1900, s18;
	[sflag:s12] =	ssyncadd.s32 $0xFFFF9C00  }
0x23: {  	[hbm4b:s30+s3] =	stream.linear.scatter [tilespmem:s11], [sflag:$0x2], $0x6400, $0x38;
	[tilespmem:$0xEF80] =	vst v63  }
0x24: {  	_ =	swait.ge [sflag:s15], $0x6400  }
0x25: {  	[sflag:s15] =	ssyncset.done $0x0  }
0x26: {  	s31 =	simm.s32 $0x258;
	[sflag:s15] =	ssyncadd.s32 $0xFFFF9C00  }
0x27: {  	[tilespmem:s13], [sflag:$0x1] =	stream.indirect.gather [hbm4b:s2+s10], $0x80, s31, s10, $0xb8;
	[tilespmem:$0xEF80] =	vst v63  }
0x28: {  	_ =	swait.ge [sflag:s12], $0x6400  }
0x29: {  	s19 =	sadd.s32 $0x2580, s18;
	[sflag:s12] =	ssyncset.done $0x0  }
0x2a: {  	s18 =	simm.s32 $0x3E8;
	s17 =	simm.s32 $0x1900;
	[sflag:s12] =	ssyncadd.s32 $0xFFFF9C00  }
.LBB2_2:
0x2b: {  	[hbm4b:s19+s3] =	stream.linear.scatter [tilespmem:s13], [sflag:$0x3], $0x6400, $0x38;
	[tilespmem:$0xEF80] =	vst v63  }
0x2c: {  	s19 =	smov.u32 s17  }
0x2d: {  	p0 =	sne.s32 s17, $0x23F00;
	s17 =	sadd.s32 $0x1900, s17;
	_ =	swait.ge [sflag:s14], $0x6400  }
0x2e: {  	[sflag:s14] =	ssyncset.done $0x0  }
0x2f: {  	s20 =	sadd.s32 $0xFFFFFF38, s18;
	[sflag:s14] =	ssyncadd.s32 $0xFFFF9C00  }
0x30: {  	[tilespmem:s11], [sflag:$0x1] =	stream.indirect.gather [hbm4b:s2+s10], $0x80, s20, s10, $0xb8;
	[tilespmem:$0xEF80] =	vst v63  }
0x31: {  	_ =	swait.ge [sflag:s12], $0x6400  }
0x32: {  	s19 =	sadd.s32 s19, s8;
	[sflag:s12] =	ssyncset.done $0x0  }
0x33: {  	s20 =	sadd.s32 $0x1900, s19;
	[sflag:s12] =	ssyncadd.s32 $0xFFFF9C00  }
0x34: {  	[hbm4b:s20+s3] =	stream.linear.scatter [tilespmem:s11], [sflag:$0x2], $0x6400, $0x38;
	[tilespmem:$0xEF80] =	vst v63  }
0x35: {  	_ =	swait.ge [sflag:s15], $0x6400  }
0x36: {  	[sflag:s15] =	ssyncset.done $0x0  }
.Ltmp0:
0x37: {  	[sflag:s15] =	ssyncadd.s32 $0xFFFF9C00;
	(pc) =	sbr.rel @p0 .LBB2_2-.Ltmp0, $4  }
0x38: {  	[tilespmem:s13], [sflag:$0x1] =	stream.indirect.gather [hbm4b:s2+s10], $0x80, s18, s10, $0xb8;
	[tilespmem:$0xEF80] =	vst v63  }
0x39: {  	_ =	swait.ge [sflag:s12], $0x6400  }
0x3a: {  	[sflag:s12] =	ssyncset.done $0x0  }
0x3b: {  	s19 =	sadd.s32 $0x2580, s19;
	s18 =	sadd.s32 $0x190, s18;
	[sflag:s12] =	ssyncadd.s32 $0xFFFF9C00  }
0x3c: {  	[hbm4b:s19+s3] =	stream.linear.scatter [tilespmem:s13], [sflag:$0x3], $0x6400, $0x38;
	[tilespmem:$0xEF80] =	vst v63  }
0x3d: {  	s16 =	sadd.s32 $0x1, s16  }
0x3e: {  	_ =	swait.ge [sflag:s14], $0x6400;
	p0 =	sne.s32 s16, s6  }
.Ltmp1:
0x3f: {  	[sflag:s14] =	ssyncset.done $0x0;
	(pc) =	sbr.rel @p0 .LBB2_1-.Ltmp1, $4  }
0x40: {  	[sflag:s14] =	ssyncadd.s32 $0xFFFF9C00  }
0x41: {  	_ =	swait.ge [sflag:s15], $0x6400  }
0x42: {  	[sflag:s15] =	ssyncset.done $0x0  }
0x43: {  	[sflag:s15] =	ssyncadd.s32 $0xFFFF9C00  }
0x44: {  	_ =	sfence.sel $0x180000  }
0x45: {  	[bflag:$0x0] =	sbarrier.arrive $0xFFFF  }
0x46: {  	p0 =	sne.s32 s0, $0x0;
	_ =	strace $0x90000047  }
0x47: {  	s0 =	sadd.s32 @!p0 $0x100000, s1;
	[bflag:$0x2] =	sbarrier.arrive $0xFFFF  }
0x48: {  	[sflag:s0] =	ssyncadd.tile.s32 @!p0 $0x1;
	_ =	shalt  }
.Lfunc_end2:
_tile_overlayer_lowered:
.L_overlay_start_2:
0x49: {  	(tag) =	ssettag $0x2  }
0x4a: {  	s0 =	rddreg [dreg:$0x0];
	s2 =	stileid.u32  }
0x4b: {  	s1 =	rddreg [dreg:$0x1];
	p0 =	sne.s32 s2, $0x0  }
0x4c: {  	s3 =	rddreg [dreg:$0x2];
	[bflag:$0x3] =	sbarrier.arrive $0xFFFF;
	s2 =	simm.s32 @!p0 $0x1C04  }
0x4d: {  	[timem:s3], [sflag:s2] =	dma.local @!p0 [hbm:s0], s1  }
0x4e: {  	s0 =	simm.s32 @!p0 $0x4  }
0x4f: {  	_ =	swait.ge @!p0 [sflag:s0], s1  }
0x50: {  	s1 =	ssub.s32 @!p0 $0x0, s1;
	[sflag:s0] =	ssyncset.done @!p0 $0x0  }
0x51: {  	[sflag:s0] =	ssyncadd.s32 @!p0 s1  }
0x52: {  	[bflag:$0x3] =	sbarrier.arrive $0xFFFF  }
0x53: {  	_ =	shalt  }

// kernel: kernel.9.cloned.1.call-start
scs
__scs_entry_jumppad:
0x0: {  	(pc) =	sbr.rel $0x88, $3  }
0x1: {  	(tag) =	ssettag $0x0;
	lr =	simm.s32 $0x1  }
0x2: {  	[smem:$0x3F96] =	sst lr;
	_ =	strace $0xD0000000  }
0x3: {  	_ = 	snop  }
0x4: {  	_ = 	snop  }
0x5: {  	_ = 	snop  }
0x6: {  	_ = 	snop  }
0x7: {  	_ = 	snop  }
__scs_overlays_trampoline_lowered:
0x8: {  	[smem:$0x3FA5] =	sst s0  }
0x9: {  	[smem:$0x3FA6] =	sst s1  }
0xa: {  	[smem:$0x3FA7] =	sst s2  }
0xb: {  	[smem:$0x3FA8] =	sst s3  }
0xc: {  	[smem:$0x3FA9] =	sst s4  }
0xd: {  	[smem:$0x3FAA] =	sst s5  }
0xe: {  	[smem:$0x3FAB] =	sst s6  }
0xf: {  	[smem:$0x3FAC] =	sst s7  }
0x10: {  	[smem:$0x3FAD] =	sst s8  }
0x11: {  	[smem:$0x3FAE] =	sst s9;
	s0 =	simm.s32 @!p0 $0x0  }
0x12: {  	s1 =	sld [smem:$0x3F94];
	s0 =	simm.s32 @p0 $0x1  }
0x13: {  	[smem:$0x3FAF] =	sst s0;
	s0 =	simm.s32 @!p1 $0x0  }
0x14: {  	s2 =	sld [smem:$0x3F93];
	s0 =	simm.s32 @p1 $0x1  }
0x15: {  	[smem:$0x3FB0] =	sst s0;
	s0 =	simm.s32 @!p2 $0x0  }
0x16: {  	s3 =	sld [smem:$0x3FDB];
	s0 =	simm.s32 @p2 $0x1  }
0x17: {  	s4 =	simm.s32 $0x1BF5;
	[smem:$0x3FB2] =	sst s0  }
0x18: {  	s0 =	sld [smem:$0x3F95];
	_ =	swait.ge [sflag:s4], $0x0  }
0x19: {  	s7 =	sld [smem:$0x3F96]  }
0x1a: {  	s8 =	sadd.s32 $0xFFFFE003, lr  }
0x1b: {  	s9 =	sadd.s32 $0xFFFFFEF7, lr;
	s5 =	simm.s32 $0xFFFFFFFF;
	p2 =	slt.u32 s8, $0xFFFFF086  }
0x1c: {  	p1 =	slt.u32 s9, $0xF7A;
	s5 =	simm.s32 @!p2 $0x0  }
0x1d: {  	s5 =	simm.s32 @p1 $0x1;
	p0 =	seq.s32 s7, s2  }
0x1e: {  	s7 =	smul.u32 @!p0 $0xF7A, s2;
	p2 =	seq.s32 @!p0 s5, $0x0  }
0x1f: {  	s9 =	smul.u32 $0xF7A, s1;
	s8 =	simm.s32 @!p0 $0x1BF5;
	p2 =	por !p2, p0  }
0x20: {  	[sflag:s8] =	ssyncset.s32 @!p0 $0xFFFFF086;
	s6 =	sadd.s32 @!p0 s3, s7;
	s7 =	simm.s32 @!p0 $0x108  }
0x21: {  	s3 =	sadd.s32 s3, s9;
	s6 =	sadd.s32 @!p0 $0x88, s6;
	s7 =	simm.s32 @p2 $0x1082  }
0x22: {  	[simem:s7], [sflag:s8] =	dma.local @!p0 [hbm:s6], $0xF7A  }
0x23: {  	s9 =	sor.u32 $0xD0000000, s2;
	s6 =	simm.s32 $0x108;
	_ =	swait.ge @!p0 [sflag:s8], $0x0  }
0x24: {  	s3 =	sadd.s32 $0x88, s3;
	s6 =	simm.s32 @!p1 $0x1082;
	[sflag:s4] =	ssyncset.s32 $0xFFFFF086  }
0x25: {  	[simem:s6], [sflag:s4] =	dma.local [hbm:s3], $0xF7A  }
0x26: {  	[smem:$0x3F96] =	sst s1;
	(tag) =	ssettag s2;
	_ =	strace s9  }
0x27: {  	s1 =	sld [smem:$0x3FA6]  }
0x28: {  	s2 =	sld [smem:$0x3FA7]  }
0x29: {  	s4 =	sld [smem:$0x3FA9]  }
0x2a: {  	p0 =	seq.s32 s5, $0x0;
	s5 =	sld [smem:$0x3FAA]  }
0x2b: {  	s6 =	sld [smem:$0x3FAB]  }
0x2c: {  	s7 =	sld [smem:$0x3FAC]  }
0x2d: {  	s3 =	simm.s32 $0x108;
	s8 =	sld [smem:$0x3FAD]  }
0x2e: {  	s3 =	simm.s32 @!p0 $0x1082;
	s9 =	sld [smem:$0x3FAE]  }
0x2f: {  	lr =	sadd.s32 s0, s3;
	s0 =	sld [smem:$0x3FA5]  }
0x30: {  	s3 =	sld [smem:$0x3FA8]  }
0x31: {  	[smem:$0x3FB1] =	sst s10  }
0x32: {  	s10 =	sld [smem:$0x3FAF];
	_ =	sdelay $0x3  }
0x33: {  	p0 =	seq.s32 s10, $0x1;
	s10 =	sld [smem:$0x3FB1];
	_ =	sdelay $0x3  }
0x34: {  	[smem:$0x3FB1] =	sst s10  }
0x35: {  	s10 =	sld [smem:$0x3FB0];
	_ =	sdelay $0x3  }
0x36: {  	p1 =	seq.s32 s10, $0x1;
	s10 =	sld [smem:$0x3FB1];
	_ =	sdelay $0x3  }
0x37: {  	[smem:$0x3FB1] =	sst s10  }
0x38: {  	s10 =	sld [smem:$0x3FB2]  }
0x39: {  	_ = 	snop;
	(pc) =	sbr.ind lr, $3  }
0x3a: {  	_ = 	snop  }
0x3b: {  	_ = 	snop  }
0x3c: {  	p2 =	seq.s32 s10, $0x1;
	s10 =	sld [smem:$0x3FB1]  }
0x3d: {  	_ =	shalt  }
0x3e: {  	_ =	shalt  }
0x3f: {  	_ =	shalt  }
0x40: {  	_ =	shalt  }
0x41: {  	_ =	shalt  }
0x42: {  	_ =	shalt  }
0x43: {  	_ =	shalt  }
0x44: {  	_ =	shalt  }
0x45: {  	_ =	shalt  }
0x46: {  	_ =	shalt  }
0x47: {  	_ =	shalt  }
0x48: {  	_ =	shalt  }
0x49: {  	_ =	shalt  }
0x4a: {  	_ =	shalt  }
0x4b: {  	_ =	shalt  }
0x4c: {  	_ =	shalt  }
0x4d: {  	_ =	shalt  }
0x4e: {  	_ =	shalt  }
0x4f: {  	_ =	shalt  }
0x50: {  	_ =	shalt  }
0x51: {  	_ =	shalt  }
0x52: {  	_ =	shalt  }
0x53: {  	_ =	shalt  }
0x54: {  	_ =	shalt  }
0x55: {  	_ =	shalt  }
0x56: {  	_ =	shalt  }
0x57: {  	_ =	shalt  }
0x58: {  	_ =	shalt  }
0x59: {  	_ =	shalt  }
0x5a: {  	_ =	shalt  }
0x5b: {  	_ =	shalt  }
0x5c: {  	_ =	shalt  }
0x5d: {  	_ =	shalt  }
0x5e: {  	_ =	shalt  }
0x5f: {  	_ =	shalt  }
0x60: {  	_ =	shalt  }
0x61: {  	_ =	shalt  }
0x62: {  	_ =	shalt  }
0x63: {  	_ =	shalt  }
0x64: {  	_ =	shalt  }
0x65: {  	_ =	shalt  }
0x66: {  	_ =	shalt  }
0x67: {  	_ =	shalt  }
0x68: {  	_ =	shalt  }
0x69: {  	_ =	shalt  }
0x6a: {  	_ =	shalt  }
0x6b: {  	_ =	shalt  }
0x6c: {  	_ =	shalt  }
0x6d: {  	_ =	shalt  }
0x6e: {  	_ =	shalt  }
0x6f: {  	_ =	shalt  }
0x70: {  	_ =	shalt  }
0x71: {  	_ =	shalt  }
0x72: {  	_ =	shalt  }
0x73: {  	_ =	shalt  }
0x74: {  	_ =	shalt  }
0x75: {  	_ =	shalt  }
0x76: {  	_ =	shalt  }
0x77: {  	_ =	shalt  }
0x78: {  	_ =	shalt  }
0x79: {  	_ =	shalt  }
0x7a: {  	_ =	shalt  }
0x7b: {  	_ =	shalt  }
0x7c: {  	_ =	shalt  }
0x7d: {  	_ =	shalt  }
0x7e: {  	_ =	shalt  }
0x7f: {  	_ =	shalt  }
0x80: {  	_ =	shalt  }
0x81: {  	_ =	shalt  }
0x82: {  	_ =	shalt  }
0x83: {  	_ =	shalt  }
0x84: {  	_ =	shalt  }
0x85: {  	_ =	shalt  }
0x86: {  	_ =	shalt  }
0x87: {  	_ =	shalt  }
.Lfunc_end0:
.L_simem_size_0:
called_computation.1_lowered:
.L_overlay_start_0:
0x88: {  	s2 =	sld [smem:$0x3FD9]  }
0x89: {  	s3 =	sld [smem:$0x3FFE];
	_ =	sdelay $0x1  }
0x8a: {  	s1 =	srdreg.scid  }
0x8b: {  	s0 =	sand.u32 $0x1, s1  }
0x8c: {  	s17 =	sshll.u32 s0, $0xA;
	s2 =	sadd.s32 s3, s2  }
0x8d: {  	s2 =	sadd.s32 s2, s17  }
0x8e: {  	[smem:$0x3FBD] =	sst s2  }
0x8f: {  	_ = 	snop  }
0x90: {  	s2 =	sld [smem:$0x3FD0];
	(tm) =	ssettm $0x1  }
0x91: {  	s18 =	sld [smem:$0x3FFB];
	_ =	sdelay $0x3  }
0x92: {  	_ =	strace s18  }
0x93: {  	s3 =	sld [smem:$0x3FFC];
	_ =	sdelay $0x3  }
0x94: {  	_ =	strace s3  }
0x95: {  	s3 =	sld [smem:$0x3FFD];
	_ =	sdelay $0x3  }
0x96: {  	_ =	strace s3  }
0x97: {  	_ =	strace $0x8FFFFFFF  }
0x98: {  	s19 =	sld [smem:$0x3FDB];
	_ =	sdelay $0x1  }
0x99: {  	s4 =	simm.s32 $_scs_section_size  }
0x9a: {  	s5 =	simm.s32 $_size__tile_overlayer_lowered;
	s6 =	simm.s32 $_tile_overlayer_lowered  }
0x9b: {  	s22 =	simm.s32 $0x1BFF;
	s21 =	sshll.u32 s6, $0x1;
	s3 =	sadd.s32 s4, s19  }
0x9c: {  	s7 =	simm.s32 $0x0;
	s20 =	sshll.u32 s5, $0x1;
	s5 =	sadd.s32 s21, s3  }
0x9d: {  	[timem:s7], [sflag:s22] =	dma.local [hbm:s5], s20  }
0x9e: {  	_ =	swait.ge [sflag:s22], s20  }
0x9f: {  	s4 =	ssub.s32 $0x0, s20;
	[sflag:s22] =	ssyncset.done $0x0  }
0xa0: {  	[sflag:s22] =	ssyncadd.s32 s4;
	_ =	sdelay $0x1  }
0xa1: {  	s23 =	simm.s32 $0x1B8B  }
0xa2: {  	_ =	swait.ge [sflag:s23], $0x1  }
0xa3: {  	[sflag:s23] =	ssyncset.done $0x0  }
0xa4: {  	s25 =	simm.s32 $0x1B8E;
	s24 =	sld [smem:$0x3FFE];
	[sflag:s23] =	ssyncadd.s32 $0xFFFFFFFF  }
0xa5: {  	s26 =	simm.s32 $execute0_lowered;
	[smem:$0x3FD2] =	sst s25  }
0xa6: {  	s5 =	sshll.u32 s26, $0x1;
	_ =	strace $0x80000049;
	[dreg:$0x1] =	wrdreg $0xFFFFFFFF  }
0xa7: {  	s28 =	simm.s32 $_size_execute0_lowered;
	s3 =	sadd.s32 s3, s5;
	[dreg:$0x0] =	wrdreg $0x0  }
0xa8: {  	s5 =	sshll.u32 s28, $0x1;
	[dreg:$0x2] =	wrdreg s3  }
0xa9: {  	[dreg:$0x3] =	wrdreg s5  }
0xaa: {  	[dreg:$0x4] =	wrdreg $0xC0  }
0xab: {  	_ =	task [dreg:s7], $0x5FFFF  }
0xac: {  	[dreg:$0x1] =	wrdreg $0xFFFFFFFF  }
0xad: {  	[dreg:$0x0] =	wrdreg $0x60  }
0xae: {  	[dreg:$0x2] =	wrdreg s24  }
0xaf: {  	[dreg:$0x3] =	wrdreg s2  }
0xb0: {  	[dreg:$0x4] =	wrdreg $0x8B100  }
0xb1: {  	[dreg:$0x5] =	wrdreg $0x9  }
0xb2: {  	_ =	task.clear_ibuf [dreg:s7], $0x6FFFF;
	_ =	strace $0x90000049  }
0xb3: {  	s29 =	simm.s32 $0x9;
	_ =	strace $0x8000004B  }
0xb4: {  	_ =	swait.ge [sflag:s29], $0x1  }
0xb5: {  	[sflag:s29] =	ssyncadd.s32 $0xFFFFFFFF  }
0xb6: {  	_ =	strace $0x9000004B  }
0xb7: {  	_ =	sfence  }
0xb8: {  	s30 =	sld [smem:$0x0];
	_ =	sdelay $0x2  }
0xb9: {  	s31 =	sshll.u32 s1, $0xD;
	s1 =	sshrl.u32 s1, $0x2  }
0xba: {  	s3 =	sand.u32 $0x4000, s31;
	s1 =	sadd.s32 s1, s30  }
0xbb: {  	s0 =	sor.u32 s3, s0;
	s1 =	sshll.u32 s1, $0x11  }
0xbc: {  	s0 =	sor.u32 s1, s0  }
0xbd: {  	s0 =	sadd.s32 $0x8F2B, s0  }
0xbe: {  	[sflag:s0] =	ssyncadd.remote.s32 $0x1  }
0xbf: {  	_ =	sfence.sel $0xFFFF  }
0xc0: {  	[dreg:$0x0] =	wrdreg $0xFFFFFFFF;
	(pc) =	sbr.abs _section_cstart, $3  }
0xc1: {  	[dreg:$0x1] =	wrdreg $0xFFFFFFFF  }
0xc2: {  	_ =	task.clear_ibuf [dreg:s7], $0x2FFFF;
	_ =	strace $0x9FFFFFFF  }
0xc3: {  	(tm) =	ssettm $0x7FFFFFFF  }
tec
execute0_lowered:
.L_overlay_start_1:
0x0: {  	(tag) =	ssettag $0x1  }
0x1: {  	s4 =	rddreg [dreg:$0x0]  }
0x2: {  	s8 =	rddreg [dreg:$0x1]  }
0x3: {  	s1 =	srdreg.scid;
	s0 =	stileid.u32  }
0x4: {  	s2 =	rddreg [dreg:$0x2];
	s3 =	simm.s32 $0x0;
	s16 =	simm.s32 $0x3  }
0x5: {  	s17 =	simm.s32 $0x40;
	s18 =	simm.s32 $0x80;
	s19 =	simm.s32 $0x1  }
0x6: {  	s20 =	simm.s32 $0x5910;
	s21 =	simm.s32 $0xC8;
	s22 =	simm.s32 $0x2  }
0x7: {  	s23 =	simm.s32 $0x2580;
	s24 =	simm.s32 $0x2648;
	s6 =	smul.u32 $0xA000, s0  }
0x8: {  	s5 =	sand.u32 $0x1, s1;
	s1 =	rddreg [dreg:$0x3];
	s11 =	smul.u32 $0x28000, s0  }
0x9: {  	[smem:$0x7FF] =	sst s3;
	s13 =	sadd.s32 $0x4EE200, s4;
	s30 =	smul.u32 $0x2710, s0  }
0xa: {  	s7 =	smul.u32 $0xA0000, s5;
	_ =	strace $0x8000004A;
	s9 =	sshll.u32 s5, $0x4  }
0xb: {  	s10 =	ssub.s32 $0x2, s5;
	s29 =	smul.u32 $0x27100, s5;
	s9 =	sor.u32 s0, s9  }
0xc: {  	s26 =	sshrl.u32 s10, $0x1;
	s28 =	sshrl.u32 s11, $0x2;
	s7 =	sadd.s32 s6, s7  }
0xd: {  	s14 =	smul.u32 $0x4E2, s9;
	s15 =	ssub.s32 s10, s26;
	s11 =	sadd.s32 s30, s29  }
0xe: {  	s9 =	smul.u32 $0x27100, s9;
	s7 =	sshrl.u32 s7, $0x3;
	s31 =	sshll.u32 s11, $0x4  }
0xf: {  	s11 =	smax.u32 s15, $0x1;
	s15 =	simm.s32 $0x2710;
	s12 =	sadd.s32 s7, s4  }
0x10: {  	s4 =	sadd.s32 s6, s2;
	s7 =	sadd.s32 s28, s2;
	s8 =	sadd.s32 s8, s14  }
0x11: {  	s9 =	sadd.s32 s13, s9;
	s14 =	sadd.s32 s13, s31;
	s5 =	sadd.s32 $0x3200, s7  }
0x12: {  	s6 =	sadd.s32 $0x6400, s7;
	s7 =	sadd.s32 $0x9600, s7;
	s10 =	sadd.s32 $0x2400, s12  }
0x13: {  	v0 =	vimm.f32 $0.0e+00;
	s12 =	sadd.s32 $0x26480, s9;
	s13 =	sadd.s32 $0xC80, s14;
	s14 =	sadd.s32 $0x1900, s14  }
.LBB2_1:
0x14: {  	s26 =	simm.s32 $0x100;
	s25 =	simm.s32 $0x0  }
.LBB2_2:
0x15: {  	p0 =	sne.s32 s26, $0xC700;
	[tilespmem:s25+$0x2740] =	vst v0;
	s28 =	smov.u32 s26;
	s26 =	sadd.s32 $0x100, s26  }
.Ltmp0:
0x16: {  	[tilespmem:s25+$0x2730] =	vst v0;
	(pc) =	sbr.rel @p0 .LBB2_2-.Ltmp0, $3  }
0x17: {  	[tilespmem:s25+$0x2710] =	vst v0  }
0x18: {  	[tilespmem:s25+$0x2720] =	vst v0;
	_ =	sdelay $0x1  }
0x19: {  	s25 =	sshra.s32 s28, $0x2  }
0x1a: {  	[tilespmem:s25+$0x2740] =	vst v0  }
0x1b: {  	[tilespmem:s25+$0x2730] =	vst v0  }
0x1c: {  	[tilespmem:s25+$0x2710] =	vst v0  }
0x1d: {  	[tilespmem:s25+$0x2720] =	vst v0  }
0x1e: {  	[spmem:s4] =	stream.linear.scatter [tilespmem:s15], [sflag:$0x3], $0x3200, $0x38;
	[tilespmem:$0x12B10] =	vst v63  }
0x1f: {  	_ =	swait.ge [sflag:s16], $0x3200  }
0x20: {  	[sflag:s16] =	ssyncset.done $0x0  }
0x21: {  	[sflag:s16] =	ssyncadd.s32 $0xFFFFCE00  }
0x22: {  	[spmem:s5] =	stream.linear.scatter [tilespmem:s15], [sflag:$0x3], $0x3200, $0x38;
	[tilespmem:$0x12B10] =	vst v63  }
0x23: {  	_ =	swait.ge [sflag:s16], $0x3200  }
0x24: {  	[sflag:s16] =	ssyncset.done $0x0  }
0x25: {  	[sflag:s16] =	ssyncadd.s32 $0xFFFFCE00  }
0x26: {  	[spmem:s6] =	stream.linear.scatter [tilespmem:s15], [sflag:$0x3], $0x3200, $0x38;
	[tilespmem:$0x12B10] =	vst v63  }
0x27: {  	_ =	swait.ge [sflag:s16], $0x3200  }
0x28: {  	[sflag:s16] =	ssyncset.done $0x0  }
0x29: {  	[sflag:s16] =	ssyncadd.s32 $0xFFFFCE00  }
0x2a: {  	[spmem:s7] =	stream.linear.scatter [tilespmem:s15], [sflag:$0x3], $0xA00, $0x38;
	[tilespmem:$0x12B10] =	vst v63  }
0x2b: {  	_ =	swait.ge [sflag:s16], $0xA00  }
0x2c: {  	[sflag:s16] =	ssyncset.done $0x0  }
0x2d: {  	s25 =	simm.s32 $0x0;
	[sflag:s16] =	ssyncadd.s32 $0xFFFFF600  }
0x2e: {  	[tilespmem:s25], [sflag:$0x3] =	stream.linear.gather [hbm4b:s8+s25], $0x2710, $0x38;
	[tilespmem:$0x12B10] =	vst v63  }
0x2f: {  	_ =	swait.ge [sflag:s16], $0x2710  }
0x30: {  	[sflag:s16] =	ssyncset.done $0x0  }
0x31: {  	[sflag:s16] =	ssyncadd.s32 $0xFFFFD8F0  }
0x32: {  	[bflag:$0x0] =	sbarrier.arrive $0xFFFF  }
0x33: {  	[tilespmem:s15], [sflag:$0x1] =	stream.strided.gather [hbm4b:s9+s17], $0x3200, s18, s17, $0x38;
	[tilespmem:$0x12B10] =	vst v63  }
0x34: {  	_ =	swait.ge [sflag:s19], $0x3200  }
0x35: {  	[sflag:s19] =	ssyncset.done $0x0  }
0x36: {  	s26 =	sadd.s32 $0x0, s13;
	[sflag:s19] =	ssyncadd.s32 $0xFFFFCE00  }
0x37: {  	[tilespmem:s20], [sflag:$0x2] =	stream.strided.gather [hbm4b:s26+s17], $0x3200, s18, s17, $0x38;
	[tilespmem:$0x12B10] =	vst v63  }
0x38: {  	_ = 	snop  }
0x39: {  	[spmem:s2] =	stream.indirect.scatter.add.f32 [tilespmem:s15], [sflag:$0x3], $0x40, s25, s21, $0xb8;
	[tilespmem:$0x12B10] =	vst v63  }
0x3a: {  	_ =	swait.ge [sflag:s16], $0x3200  }
0x3b: {  	[sflag:s16] =	ssyncset.done $0x0  }
0x3c: {  	[sflag:s16] =	ssyncadd.s32 $0xFFFFCE00  }
0x3d: {  	_ =	swait.ge [sflag:s22], $0x3200  }
0x3e: {  	[sflag:s22] =	ssyncset.done $0x0  }
0x3f: {  	s30 =	sadd.s32 $0x0, s14;
	[sflag:s22] =	ssyncadd.s32 $0xFFFFCE00  }
0x40: {  	[tilespmem:s15], [sflag:$0x1] =	stream.strided.gather [hbm4b:s30+s17], $0x3200, s18, s17, $0x38;
	[tilespmem:$0x12B10] =	vst v63  }
0x41: {  	s31 =	simm.s32 $0xC8  }
0x42: {  	[spmem:s2] =	stream.indirect.scatter.add.f32 [tilespmem:s20], [sflag:$0x3], $0x40, s31, s21, $0xb8;
	[tilespmem:$0x12B10] =	vst v63  }
0x43: {  	_ =	swait.ge [sflag:s16], $0x3200  }
0x44: {  	s26 =	simm.s32 $0x1900;
	[sflag:s16] =	ssyncset.done $0x0  }
.LBB2_4:
0x45: {  	p0 =	sne.s32 s26, $0x23F00;
	[sflag:s16] =	ssyncadd.s32 $0xFFFFCE00;
	s25 =	sadd.s32 $0x190, s25  }
0x46: {  	s28 =	smov.u32 s26;
	s26 =	sadd.s32 $0x1900, s26  }
0x47: {  	_ =	swait.ge [sflag:s19], $0x3200  }
0x48: {  	[sflag:s19] =	ssyncset.done $0x0  }
0x49: {  	s29 =	sadd.s32 s28, s13;
	[sflag:s19] =	ssyncadd.s32 $0xFFFFCE00  }
0x4a: {  	[tilespmem:s20], [sflag:$0x2] =	stream.strided.gather [hbm4b:s29+s17], $0x3200, s18, s17, $0x38;
	[tilespmem:$0x12B10] =	vst v63  }
0x4b: {  	_ = 	snop  }
0x4c: {  	[spmem:s2] =	stream.indirect.scatter.add.f32 [tilespmem:s15], [sflag:$0x3], $0x40, s25, s21, $0xb8;
	[tilespmem:$0x12B10] =	vst v63  }
0x4d: {  	_ =	swait.ge [sflag:s16], $0x3200  }
0x4e: {  	[sflag:s16] =	ssyncset.done $0x0  }
0x4f: {  	[sflag:s16] =	ssyncadd.s32 $0xFFFFCE00  }
0x50: {  	_ =	swait.ge [sflag:s22], $0x3200  }
0x51: {  	[sflag:s22] =	ssyncset.done $0x0  }
0x52: {  	s28 =	sadd.s32 s28, s14;
	[sflag:s22] =	ssyncadd.s32 $0xFFFFCE00  }
0x53: {  	[tilespmem:s15], [sflag:$0x1] =	stream.strided.gather [hbm4b:s28+s17], $0x3200, s18, s17, $0x38;
	[tilespmem:$0x12B10] =	vst v63  }
.Ltmp1:
0x54: {  	_ = 	snop;
	(pc) =	sbr.rel @p0 .LBB2_4-.Ltmp1, $4  }
0x55: {  	s28 =	sadd.s32 $0xC8, s25  }
0x56: {  	[spmem:s2] =	stream.indirect.scatter.add.f32 [tilespmem:s20], [sflag:$0x3], $0x40, s28, s21, $0xb8;
	[tilespmem:$0x12B10] =	vst v63  }
0x57: {  	_ =	swait.ge [sflag:s16], $0x3200  }
0x58: {  	[sflag:s16] =	ssyncset.done $0x0  }
0x59: {  	[sflag:s16] =	ssyncadd.s32 $0xFFFFCE00  }
0x5a: {  	_ =	swait.ge [sflag:s19], $0x3200  }
0x5b: {  	[sflag:s19] =	ssyncset.done $0x0  }
0x5c: {  	[sflag:s19] =	ssyncadd.s32 $0xFFFFCE00  }
0x5d: {  	[tilespmem:s20], [sflag:$0x2] =	stream.strided.gather [hbm4b:s12+s17], $0x3200, s18, s17, $0x38;
	[tilespmem:$0x12B10] =	vst v63  }
0x5e: {  	_ = 	snop  }
0x5f: {  	[spmem:s2] =	stream.indirect.scatter.add.f32 [tilespmem:s15], [sflag:$0x3], $0x40, s23, s21, $0xb8;
	[tilespmem:$0x12B10] =	vst v63  }
0x60: {  	_ =	swait.ge [sflag:s16], $0x3200  }
0x61: {  	[sflag:s16] =	ssyncset.done $0x0  }
0x62: {  	[sflag:s16] =	ssyncadd.s32 $0xFFFFCE00  }
0x63: {  	_ =	swait.ge [sflag:s22], $0x3200  }
0x64: {  	[sflag:s22] =	ssyncset.done $0x0  }
0x65: {  	[sflag:s22] =	ssyncadd.s32 $0xFFFFCE00  }
0x66: {  	[spmem:s2] =	stream.indirect.scatter.add.f32 [tilespmem:s20], [sflag:$0x3], $0x40, s24, s21, $0xb8;
	[tilespmem:$0x12B10] =	vst v63  }
0x67: {  	_ =	swait.ge [sflag:s16], $0x3200  }
0x68: {  	s25 =	sshll.u32 s0, $0x6;
	s3 =	sadd.s32 $0x1, s3;
	[sflag:s16] =	ssyncset.done $0x0  }
0x69: {  	s26 =	sshrl.u32 s4, $0x3;
	p0 =	sne.s32 s3, s11;
	[sflag:s16] =	ssyncadd.s32 $0xFFFFCE00  }
.Ltmp2:
0x6a: {  	s25 =	sor.u32 $0x1C03, s25;
	[bflag:$0x0] =	sbarrier.arrive $0xFFFF;
	(pc) =	sbr.rel @p0 .LBB2_1-.Ltmp2, $4  }
0x6b: {  	[hbm:s10], [sflag:s25] =	dma.local [spmem:s26], $0x1400  }
0x6c: {  	_ =	swait.ge [sflag:s16], $0x1400  }
0x6d: {  	[sflag:s16] =	ssyncset.done $0x0  }
0x6e: {  	[sflag:s16] =	ssyncadd.s32 $0xFFFFEC00  }
0x6f: {  	_ =	sfence.sel $0x180000  }
0x70: {  	[bflag:$0x0] =	sbarrier.arrive $0xFFFF  }
0x71: {  	p0 =	sne.s32 s0, $0x0;
	_ =	strace $0x9000004A  }
0x72: {  	s0 =	sadd.s32 @!p0 $0x100000, s1;
	[bflag:$0x2] =	sbarrier.arrive $0xFFFF  }
0x73: {  	[sflag:s0] =	ssyncadd.tile.s32 @!p0 $0x1;
	_ =	shalt  }
.Lfunc_end2:
_tile_overlayer_lowered:
.L_overlay_start_2:
0x74: {  	(tag) =	ssettag $0x2  }
0x75: {  	s0 =	rddreg [dreg:$0x0];
	s2 =	stileid.u32  }
0x76: {  	s1 =	rddreg [dreg:$0x1];
	p0 =	sne.s32 s2, $0x0  }
0x77: {  	s3 =	rddreg [dreg:$0x2];
	[bflag:$0x3] =	sbarrier.arrive $0xFFFF;
	s2 =	simm.s32 @!p0 $0x1C03  }
0x78: {  	[timem:s3], [sflag:s2] =	dma.local @!p0 [hbm:s0], s1  }
0x79: {  	s0 =	simm.s32 @!p0 $0x3  }
0x7a: {  	_ =	swait.ge @!p0 [sflag:s0], s1  }
0x7b: {  	s1 =	ssub.s32 @!p0 $0x0, s1;
	[sflag:s0] =	ssyncset.done @!p0 $0x0  }
0x7c: {  	[sflag:s0] =	ssyncadd.s32 @!p0 s1  }
0x7d: {  	[bflag:$0x3] =	sbarrier.arrive $0xFFFF  }
0x7e: {  	_ =	shalt  }

</sc_bundles>
